<compile_context>
chip_gen: v7x
topology: tpu7x:2x2x1
jax: 0.10.2.dev20260603
libtpu: 0.0.44.dev20260713+nightly
codegen_flags: <defaults>
</compile_context>

<pallas_src>
import functools

import jax
import jax.numpy as jnp
from jax import lax
from jax.experimental import pallas as pl
from jax.experimental.pallas import tpu as pltpu
from jax.experimental.pallas import tpu_sc as plsc

_N_ENT = 10000
_N_USERS = 10000
_C = 128
_CH = 64
_N_REL = 16
_N_EDGES = 320000
_NNZ = 200000

_NS = 16
_CHUNK = 128
_E_CHUNKS = 160
_EP = _NS * _E_CHUNKS * _CHUNK
_U_CHUNKS = 100
_NP = _NS * _U_CHUNKS * _CHUNK
_ROWS = 10112
_STRIPE = _ROWS // _NS


def _sc_body(ent_cat, rel_cat, tail2, ridx2, head, cols2, vals, urows,
             z64, z16, o16, out_ent, out_usr,
             tail_buf, ridx_buf, head_buf, vals_buf, gbuf, rbuf,
             ones_buf, fin_buf, cnt_buf, acc, cnt_acc, sem):
    c = lax.axis_index("c")
    s = lax.axis_index("s")
    stripe = s * _STRIPE

    pltpu.sync_copy(z64, acc.at[pl.ds(stripe, _STRIPE)])
    pltpu.sync_copy(z16, cnt_acc.at[pl.ds(stripe, _STRIPE)])
    pltpu.sync_copy(o16, ones_buf)
    plsc.subcore_barrier()

    def ent_chunk(j, carry):
        off = (s * _E_CHUNKS + j) * _CHUNK
        pltpu.sync_copy(tail2.at[c, pl.ds(off, _CHUNK)], tail_buf)
        pltpu.sync_copy(ridx2.at[c, pl.ds(off, _CHUNK)], ridx_buf)
        pltpu.sync_copy(head.at[pl.ds(off, _CHUNK)], head_buf)
        pltpu.async_copy(ent_cat.at[tail_buf], gbuf, sem).wait()
        pltpu.async_copy(rel_cat.at[ridx_buf], rbuf, sem).wait()

        @plsc.parallel_loop(0, _CHUNK, 1, unroll=8)
        def mul_edge(e):
            for g in range(_CH // 16):
                sl = pl.ds(g * 16, 16)
                gbuf[e, sl] = gbuf[e, sl] * rbuf[e, sl]

        pltpu.sync_copy(gbuf, acc.at[head_buf], add=True)
        pltpu.sync_copy(ones_buf, cnt_acc.at[head_buf], add=True)
        return carry
    lax.fori_loop(0, _E_CHUNKS, ent_chunk, 0)

    plsc.subcore_barrier()

    pltpu.sync_copy(acc.at[pl.ds(stripe, _STRIPE)], fin_buf)
    pltpu.sync_copy(cnt_acc.at[pl.ds(stripe, _STRIPE)], cnt_buf)

    @plsc.parallel_loop(0, _STRIPE, 1, unroll=4)
    def fin_row(r):
        cv = jnp.maximum(cnt_buf[r, pl.ds(0, 16)], 1.0)
        rcv = 1.0 / cv
        for g in range(_CH // 16):
            sl = pl.ds(g * 16, 16)
            fin_buf[r, sl] = fin_buf[r, sl] * rcv
    pltpu.sync_copy(fin_buf, out_ent.at[c, pl.ds(stripe, _STRIPE)])

    plsc.subcore_barrier()
    pltpu.sync_copy(z64, acc.at[pl.ds(stripe, _STRIPE)])
    plsc.subcore_barrier()

    def usr_chunk(j, carry):
        off = (s * _U_CHUNKS + j) * _CHUNK
        pltpu.sync_copy(cols2.at[c, pl.ds(off, _CHUNK)], tail_buf)
        pltpu.sync_copy(urows.at[pl.ds(off, _CHUNK)], head_buf)
        pltpu.sync_copy(vals.at[pl.ds(off, _CHUNK)], vals_buf)
        pltpu.async_copy(ent_cat.at[tail_buf], gbuf, sem).wait()

        @plsc.parallel_loop(0, _CHUNK, 1, unroll=8)
        def mul_edge(e):
            vv = vals_buf[e, pl.ds(0, 16)]
            for g in range(_CH // 16):
                sl = pl.ds(g * 16, 16)
                gbuf[e, sl] = gbuf[e, sl] * vv

        pltpu.sync_copy(gbuf, acc.at[head_buf], add=True)
        return carry
    lax.fori_loop(0, _U_CHUNKS, usr_chunk, 0)

    plsc.subcore_barrier()

    pltpu.sync_copy(acc.at[pl.ds(stripe, _STRIPE)], fin_buf)
    pltpu.sync_copy(fin_buf, out_usr.at[c, pl.ds(stripe, _STRIPE)])


_sc_agg = functools.partial(
    pl.kernel,
    out_type=(
        jax.ShapeDtypeStruct((2, _ROWS, _CH), jnp.float32),
        jax.ShapeDtypeStruct((2, _ROWS, _CH), jnp.float32),
    ),
    mesh=plsc.VectorSubcoreMesh(core_axis_name="c", subcore_axis_name="s"),
    scratch_types=[
        pltpu.VMEM((_CHUNK,), jnp.int32),
        pltpu.VMEM((_CHUNK,), jnp.int32),
        pltpu.VMEM((_CHUNK,), jnp.int32),
        pltpu.VMEM((_CHUNK, 16), jnp.float32),
        pltpu.VMEM((_CHUNK, _CH), jnp.float32),
        pltpu.VMEM((_CHUNK, _CH), jnp.float32),
        pltpu.VMEM((_CHUNK, 16), jnp.float32),
        pltpu.VMEM((_STRIPE, _CH), jnp.float32),
        pltpu.VMEM((_STRIPE, 16), jnp.float32),
        pltpu.VMEM_SHARED((_ROWS, _CH), jnp.float32),
        pltpu.VMEM_SHARED((_ROWS, 16), jnp.float32),
        pltpu.SemaphoreType.DMA,
    ],
    compiler_params=pltpu.CompilerParams(use_tc_tiling_on_sc=False),
)(_sc_body)


def _tc_body(u_ref, lat_ref, att_ref, w_ref, agg_ref, o_ref):
    att = att_ref[...]
    att = att - jnp.max(att, axis=-1, keepdims=True)
    att = jnp.exp(att)
    att = att / jnp.sum(att, axis=-1, keepdims=True)
    disen = lax.dot_general(att, w_ref[...], (((1,), (0,)), ((), ())),
                            preferred_element_type=jnp.float32)
    sc = lax.dot_general(u_ref[...], lat_ref[...], (((1,), (1,)), ((), ())),
                         preferred_element_type=jnp.float32)
    mask = jnp.where(lax.broadcasted_iota(jnp.int32, (1, 8), 1) >= 4,
                     -1e30, 0.0)
    sc = sc + mask
    sc = sc - jnp.max(sc, axis=-1, keepdims=True)
    sc = jnp.exp(sc)
    sc = sc / jnp.sum(sc, axis=-1, keepdims=True)
    coef = 1.0 + lax.dot_general(sc, disen, (((1,), (0,)), ((), ())),
                                 preferred_element_type=jnp.float32)
    o_ref[...] = agg_ref[...] * coef


def _tc_user(user_emb, latent_pad, att_pad, weight, usr_raw):
    blk = 1000
    grid = _N_USERS // blk
    return pl.pallas_call(
        _tc_body,
        grid=(grid,),
        in_specs=[
            pl.BlockSpec((blk, _C), lambda i: (i, 0)),
            pl.BlockSpec((8, _C), lambda i: (0, 0)),
            pl.BlockSpec((8, 8), lambda i: (0, 0)),
            pl.BlockSpec((8, _C), lambda i: (0, 0)),
            pl.BlockSpec((blk, _C), lambda i: (i, 0)),
        ],
        out_specs=pl.BlockSpec((blk, _C), lambda i: (i, 0)),
        out_shape=jax.ShapeDtypeStruct((_N_USERS, _C), jnp.float32),
    )(user_emb, latent_pad, att_pad, weight, usr_raw)


def kernel(entity_emb, user_emb, latent_emb, edge_index, edge_type,
           interact_indices, interact_values, relation_edge_weight,
           weight, disen_weight_att):
    i32 = jnp.int32
    head = edge_index[0]
    tail = edge_index[1]
    pad_e = _EP - _N_EDGES
    tail_pad = jnp.concatenate([tail, jnp.zeros((pad_e,), i32)])
    tail2 = jnp.stack([tail_pad, tail_pad + _N_ENT])
    tp = jnp.concatenate([edge_type - 1, jnp.full((pad_e,), _N_REL - 1, i32)])
    ridx2 = jnp.stack([tp, tp + _N_REL])
    head_pad = jnp.concatenate([head, jnp.full((pad_e,), _N_ENT, i32)])

    rows = interact_indices[0]
    cols = interact_indices[1]
    pad_n = _NP - _NNZ
    cols_pad = jnp.concatenate([cols, jnp.zeros((pad_n,), i32)])
    cols2 = jnp.stack([cols_pad, cols_pad + _N_ENT])
    vals_pad = jnp.concatenate([interact_values,
                                jnp.zeros((pad_n,), jnp.float32)])
    vals_wide = jnp.broadcast_to(vals_pad[:, None], (_NP, 16))
    urows_pad = jnp.concatenate([rows, jnp.full((pad_n,), _N_USERS, i32)])

    ent_cat = jnp.concatenate([entity_emb[:, :_CH], entity_emb[:, _CH:]],
                              axis=0)
    zrow = jnp.zeros((1, _CH), jnp.float32)
    rel_cat = jnp.concatenate(
        [relation_edge_weight[:, :_CH], zrow,
         relation_edge_weight[:, _CH:], zrow], axis=0)

    z64 = jnp.zeros((_STRIPE, _CH), jnp.float32)
    z16 = jnp.zeros((_STRIPE, 16), jnp.float32)
    o16 = jnp.ones((_CHUNK, 16), jnp.float32)

    out_ent, out_usr = _sc_agg(ent_cat, rel_cat, tail2, ridx2, head_pad,
                               cols2, vals_wide, urows_pad, z64, z16, o16)

    entity_agg = jnp.concatenate(
        [out_ent[0, :_N_ENT], out_ent[1, :_N_ENT]], axis=1)
    usr_raw = jnp.concatenate(
        [out_usr[0, :_N_USERS], out_usr[1, :_N_USERS]], axis=1)

    latent_pad = jnp.concatenate(
        [latent_emb, jnp.zeros((4, _C), jnp.float32)], axis=0)
    att_pad = jnp.concatenate(
        [disen_weight_att, jnp.zeros((4, 8), jnp.float32)], axis=0)

    user_agg = _tc_user(user_emb, latent_pad, att_pad, weight, usr_raw)
    return (entity_agg, user_agg)

# --- scband reference (transcript-rebuilt; emitter-appended) ---
"""Pipeline reference for scband-graph-conv-67336497267220 (READ-ONLY COPY).

The authoritative reference and input builder live on the scoring server;
editing this copy changes nothing except your own understanding.
"""

import jax, jax.numpy as jnp
import numpy as np

N_ENT = 10000
N_USERS = 10000
C = 128
N_FACTORS = 4
N_REL = 16
N_META = 8
N_EDGES = 320000
NNZ = 200000


def setup_inputs(seed: int = 0) -> dict:
    key = jax.random.key(seed)
    ks = jax.random.split(key, 12)
    entity_emb = jax.random.normal(ks[0], (N_ENT, C), dtype=jnp.float32)
    user_emb = jax.random.normal(ks[1], (N_USERS, C), dtype=jnp.float32)
    latent_emb = jax.random.normal(ks[2], (N_FACTORS, C), dtype=jnp.float32)
    edge_index = jax.random.randint(ks[3], (2, N_EDGES), 0, N_ENT, dtype=jnp.int32)
    edge_type = jax.random.randint(ks[4], (N_EDGES,), 1, N_REL, dtype=jnp.int32)
    rows = jax.random.randint(ks[5], (1, NNZ), 0, N_USERS, dtype=jnp.int32)
    cols = jax.random.randint(ks[6], (1, NNZ), 0, N_ENT, dtype=jnp.int32)
    interact_indices = jnp.concatenate([rows, cols], axis=0)
    interact_values = jax.random.uniform(ks[7], (NNZ,), dtype=jnp.float32)
    # learned parameters (xavier-ish scale)
    relation_edge_weight = jax.random.normal(ks[8], (N_REL - 1, C), dtype=jnp.float32) * np.sqrt(2.0 / (N_REL - 1 + C))
    weight = jax.random.normal(ks[9], (N_META, C), dtype=jnp.float32) * np.sqrt(2.0 / (N_META + C))
    disen_weight_att = jax.random.normal(ks[10], (N_FACTORS, N_META), dtype=jnp.float32) * np.sqrt(2.0 / (N_FACTORS + N_META))
    return {
        'entity_emb': entity_emb,
        'user_emb': user_emb,
        'latent_emb': latent_emb,
        'edge_index': edge_index,
        'edge_type': edge_type,
        'interact_indices': interact_indices,
        'interact_values': interact_values,
        'relation_edge_weight': relation_edge_weight,
        'weight': weight,
        'disen_weight_att': disen_weight_att,
    }


def reference(entity_emb, user_emb, latent_emb, edge_index, edge_type,
              interact_indices, interact_values, relation_edge_weight,
              weight, disen_weight_att):
    # Aggregator.forward with INDEPENDENT_RELATION_EMB path (plain else-branch),
    # non-PREFERENCE_EMB disen_weight path. Dropout is eval-mode identity.
    n_entities = entity_emb.shape[0]
    n_users = user_emb.shape[0]
    head = edge_index[0]
    tail = edge_index[1]
    # KG aggregate: relation-modulated neighbor embeddings
    edge_relation_emb = jnp.take(relation_edge_weight, edge_type - 1, axis=0)
    neigh_relation_emb = jnp.take(entity_emb, tail, axis=0) * edge_relation_emb
    # scatter_mean over head
    sums = jax.ops.segment_sum(neigh_relation_emb, head, num_segments=n_entities)
    counts = jax.ops.segment_sum(jnp.ones((head.shape[0],), dtype=jnp.float32), head, num_segments=n_entities)
    entity_agg = sums / jnp.clip(counts, 1.0, None)[:, None]
    # user side
    score_ = user_emb @ latent_emb.T
    score = jax.nn.softmax(score_, axis=1)[:, :, None]  # [n_users, n_factors, 1]
    # sparse mm: interact_mat (COO) @ entity_emb
    rows = interact_indices[0]
    cols = interact_indices[1]
    gathered = jnp.take(entity_emb, cols, axis=0) * interact_values[:, None]
    user_agg = jax.ops.segment_sum(gathered, rows, num_segments=n_users)
    # disentangled preference weights
    disen_weight = jax.nn.softmax(disen_weight_att, axis=-1) @ weight  # [n_factors, C]
    disen_weight = jnp.broadcast_to(disen_weight[None, :, :], (n_users, disen_weight.shape[0], disen_weight.shape[1]))
    user_agg = user_agg * (disen_weight * score).sum(axis=1) + user_agg
    return (entity_agg, user_agg)

if __name__ == "__main__":
    import jax
    _d = setup_inputs()
    print(jax.jit(kernel)(*tuple(_d.values())))

</pallas_src>

<mosaic_0001>
#map = affine_map<(d0, d1) -> (0, 0)>
#map1 = affine_map<(d0, d1) -> (0)>
#map2 = affine_map<(d0, d1) -> (0, 0, 0)>
module attributes {stable_mosaic.version = 14 : i64} {
  func.func @_sc_body(%arg0: i32, %arg1: i32, %arg2: memref<20000x64xf32, #tpu.memory_space<hbm>>, %arg3: memref<32x64xf32, #tpu.memory_space<hbm>>, %arg4: memref<2x327680xi32, #tpu.memory_space<hbm>>, %arg5: memref<2x327680xi32, #tpu.memory_space<hbm>>, %arg6: memref<327680xi32, #tpu.memory_space<hbm>>, %arg7: memref<2x204800xi32, #tpu.memory_space<hbm>>, %arg8: memref<204800x16xf32, #tpu.memory_space<hbm>>, %arg9: memref<204800xi32, #tpu.memory_space<hbm>>, %arg10: memref<632x64xf32, #tpu.memory_space<hbm>>, %arg11: memref<632x16xf32, #tpu.memory_space<hbm>>, %arg12: memref<128x16xf32, #tpu.memory_space<hbm>>, %arg13: memref<2x10112x64xf32, #tpu.memory_space<hbm>>, %arg14: memref<2x10112x64xf32, #tpu.memory_space<hbm>>, %arg15: memref<128xi32, #tpu.memory_space<vmem>>, %arg16: memref<128xi32, #tpu.memory_space<vmem>>, %arg17: memref<128xi32, #tpu.memory_space<vmem>>, %arg18: memref<128x16xf32, #tpu.memory_space<vmem>>, %arg19: memref<128x64xf32, #tpu.memory_space<vmem>>, %arg20: memref<128x64xf32, #tpu.memory_space<vmem>>, %arg21: memref<128x16xf32, #tpu.memory_space<vmem>>, %arg22: memref<632x64xf32, #tpu.memory_space<vmem>>, %arg23: memref<632x16xf32, #tpu.memory_space<vmem>>, %arg24: memref<10112x64xf32, #tpu.memory_space<vmem_shared>>, %arg25: memref<10112x16xf32, #tpu.memory_space<vmem_shared>>, %arg26: memref<!tpu.dma_semaphore, #tpu.memory_space<semaphore_mem>>) attributes {dimension_semantics = [#tpu.dimension_semantics<core_parallel>, #tpu.dimension_semantics<subcore_parallel>], iteration_bounds = array<i64: 2, 16>, scalar_prefetch = 0 : i64, scratch_operands = 12 : i64, tpu.core_type = #tpu.core_type<sc_vector_subcore>, window_params = [{transform_indices = #map}, {transform_indices = #map}, {transform_indices = #map}, {transform_indices = #map}, {transform_indices = #map1}, {transform_indices = #map}, {transform_indices = #map}, {transform_indices = #map1}, {transform_indices = #map}, {transform_indices = #map}, {transform_indices = #map}, {transform_indices = #map2}, {transform_indices = #map2}]} {
    %mul3A = arith.constant 632 : i32
    %mul3A_0 = arith.muli %arg1, %mul3A : i32
    "tpu.region"() ({
      %run_scoped3A = tpu.sem_alloc : memref<!tpu.dma_semaphore, #tpu.memory_space<semaphore_mem>>
      %dma_start3A = arith.constant 0 : i32
      %dma_start3A_18 = tpu.memref_slice %arg24[%mul3A_0, %dma_start3A] : memref<10112x64xf32, #tpu.memory_space<vmem_shared>> -> memref<632x64xf32, #tpu.memory_space<vmem_shared>>
      tpu.enqueue_dma source(%arg10 : memref<632x64xf32, #tpu.memory_space<hbm>>) target(%dma_start3A_18 : memref<632x64xf32, #tpu.memory_space<vmem_shared>>) target_semaphore(%run_scoped3A : memref<!tpu.dma_semaphore, #tpu.memory_space<semaphore_mem>>)
      %dma_wait3A = arith.constant 0 : i32
      %dma_wait3A_19 = tpu.memref_slice %arg24[%mul3A_0, %dma_wait3A] : memref<10112x64xf32, #tpu.memory_space<vmem_shared>> -> memref<632x64xf32, #tpu.memory_space<vmem_shared>>
      tpu.wait_dma2 semaphore(%run_scoped3A : memref<!tpu.dma_semaphore, #tpu.memory_space<semaphore_mem>>) src(%arg10 : memref<632x64xf32, #tpu.memory_space<hbm>>) dst(%dma_wait3A_19 : memref<632x64xf32, #tpu.memory_space<vmem_shared>>)
      tpu.yield
    }) : () -> ()
    "tpu.region"() ({
      %run_scoped3A = tpu.sem_alloc : memref<!tpu.dma_semaphore, #tpu.memory_space<semaphore_mem>>
      %dma_start3A = arith.constant 0 : i32
      %dma_start3A_18 = tpu.memref_slice %arg25[%mul3A_0, %dma_start3A] : memref<10112x16xf32, #tpu.memory_space<vmem_shared>> -> memref<632x16xf32, #tpu.memory_space<vmem_shared>>
      tpu.enqueue_dma source(%arg11 : memref<632x16xf32, #tpu.memory_space<hbm>>) target(%dma_start3A_18 : memref<632x16xf32, #tpu.memory_space<vmem_shared>>) target_semaphore(%run_scoped3A : memref<!tpu.dma_semaphore, #tpu.memory_space<semaphore_mem>>)
      %dma_wait3A = arith.constant 0 : i32
      %dma_wait3A_19 = tpu.memref_slice %arg25[%mul3A_0, %dma_wait3A] : memref<10112x16xf32, #tpu.memory_space<vmem_shared>> -> memref<632x16xf32, #tpu.memory_space<vmem_shared>>
      tpu.wait_dma2 semaphore(%run_scoped3A : memref<!tpu.dma_semaphore, #tpu.memory_space<semaphore_mem>>) src(%arg11 : memref<632x16xf32, #tpu.memory_space<hbm>>) dst(%dma_wait3A_19 : memref<632x16xf32, #tpu.memory_space<vmem_shared>>)
      tpu.yield
    }) : () -> ()
    "tpu.region"() ({
      %run_scoped3A = tpu.sem_alloc : memref<!tpu.dma_semaphore, #tpu.memory_space<semaphore_mem>>
      tpu.enqueue_dma source(%arg12 : memref<128x16xf32, #tpu.memory_space<hbm>>) target(%arg21 : memref<128x16xf32, #tpu.memory_space<vmem>>) target_semaphore(%run_scoped3A : memref<!tpu.dma_semaphore, #tpu.memory_space<semaphore_mem>>)
      tpu.wait_dma2 semaphore(%run_scoped3A : memref<!tpu.dma_semaphore, #tpu.memory_space<semaphore_mem>>) src(%arg12 : memref<128x16xf32, #tpu.memory_space<hbm>>) dst(%arg21 : memref<128x16xf32, #tpu.memory_space<vmem>>)
      tpu.yield
    }) : () -> ()
    %barrier3A = arith.constant 0 : index
    tpu.barrier barrier_id(%barrier3A)
    %scan3A = arith.constant 0 : i32
    %scan3A_1 = arith.constant 0 : i32
    %scan3A_2 = arith.constant 160 : i32
    %scan3A_3 = arith.addi %scan3A_1, %scan3A_2 : i32
    %scan3A_4 = arith.constant 1 : i32
    scf.for %scan3A_18 = %scan3A_1 to %scan3A_3 step %scan3A_4  : i32 {
      %mul3A_19 = arith.constant 160 : i32
      %mul3A_20 = arith.muli %arg1, %mul3A_19 : i32
      %add3A = arith.addi %mul3A_20, %scan3A_18 : i32
      %mul3A_21 = arith.constant 128 : i32
      %mul3A_22 = arith.muli %add3A, %mul3A_21 : i32
      "tpu.region"() ({
        %run_scoped3A = tpu.sem_alloc : memref<!tpu.dma_semaphore, #tpu.memory_space<semaphore_mem>>
        %dma_start3A_36 = tpu.memref_slice %arg4[%arg0, %mul3A_22] : memref<2x327680xi32, #tpu.memory_space<hbm>> -> memref<1x128xi32, #tpu.memory_space<hbm>>
        %dma_start3A_37 = tpu.memref_squeeze %dma_start3A_36 : memref<1x128xi32, #tpu.memory_space<hbm>> -> memref<128xi32, #tpu.memory_space<hbm>>
        %dma_start3A_38 = tpu.memref_slice %arg4[%arg0, %mul3A_22] : memref<2x327680xi32, #tpu.memory_space<hbm>> -> memref<1x128xi32, #tpu.memory_space<hbm>>
        %dma_start3A_39 = tpu.memref_squeeze %dma_start3A_38 : memref<1x128xi32, #tpu.memory_space<hbm>> -> memref<128xi32, #tpu.memory_space<hbm>>
        tpu.enqueue_dma source(%dma_start3A_39 : memref<128xi32, #tpu.memory_space<hbm>>) target(%arg15 : memref<128xi32, #tpu.memory_space<vmem>>) target_semaphore(%run_scoped3A : memref<!tpu.dma_semaphore, #tpu.memory_space<semaphore_mem>>)
        %dma_wait3A_40 = tpu.memref_slice %arg4[%arg0, %mul3A_22] : memref<2x327680xi32, #tpu.memory_space<hbm>> -> memref<1x128xi32, #tpu.memory_space<hbm>>
        %dma_wait3A_41 = tpu.memref_squeeze %dma_wait3A_40 : memref<1x128xi32, #tpu.memory_space<hbm>> -> memref<128xi32, #tpu.memory_space<hbm>>
        %dma_wait3A_42 = tpu.memref_slice %arg4[%arg0, %mul3A_22] : memref<2x327680xi32, #tpu.memory_space<hbm>> -> memref<1x128xi32, #tpu.memory_space<hbm>>
        %dma_wait3A_43 = tpu.memref_squeeze %dma_wait3A_42 : memref<1x128xi32, #tpu.memory_space<hbm>> -> memref<128xi32, #tpu.memory_space<hbm>>
        tpu.wait_dma2 semaphore(%run_scoped3A : memref<!tpu.dma_semaphore, #tpu.memory_space<semaphore_mem>>) src(%dma_wait3A_43 : memref<128xi32, #tpu.memory_space<hbm>>) dst(%arg15 : memref<128xi32, #tpu.memory_space<vmem>>)
        tpu.yield
      }) : () -> ()
      "tpu.region"() ({
        %run_scoped3A = tpu.sem_alloc : memref<!tpu.dma_semaphore, #tpu.memory_space<semaphore_mem>>
        %dma_start3A_36 = tpu.memref_slice %arg5[%arg0, %mul3A_22] : memref<2x327680xi32, #tpu.memory_space<hbm>> -> memref<1x128xi32, #tpu.memory_space<hbm>>
        %dma_start3A_37 = tpu.memref_squeeze %dma_start3A_36 : memref<1x128xi32, #tpu.memory_space<hbm>> -> memref<128xi32, #tpu.memory_space<hbm>>
        %dma_start3A_38 = tpu.memref_slice %arg5[%arg0, %mul3A_22] : memref<2x327680xi32, #tpu.memory_space<hbm>> -> memref<1x128xi32, #tpu.memory_space<hbm>>
        %dma_start3A_39 = tpu.memref_squeeze %dma_start3A_38 : memref<1x128xi32, #tpu.memory_space<hbm>> -> memref<128xi32, #tpu.memory_space<hbm>>
        tpu.enqueue_dma source(%dma_start3A_39 : memref<128xi32, #tpu.memory_space<hbm>>) target(%arg16 : memref<128xi32, #tpu.memory_space<vmem>>) target_semaphore(%run_scoped3A : memref<!tpu.dma_semaphore, #tpu.memory_space<semaphore_mem>>)
        %dma_wait3A_40 = tpu.memref_slice %arg5[%arg0, %mul3A_22] : memref<2x327680xi32, #tpu.memory_space<hbm>> -> memref<1x128xi32, #tpu.memory_space<hbm>>
        %dma_wait3A_41 = tpu.memref_squeeze %dma_wait3A_40 : memref<1x128xi32, #tpu.memory_space<hbm>> -> memref<128xi32, #tpu.memory_space<hbm>>
        %dma_wait3A_42 = tpu.memref_slice %arg5[%arg0, %mul3A_22] : memref<2x327680xi32, #tpu.memory_space<hbm>> -> memref<1x128xi32, #tpu.memory_space<hbm>>
        %dma_wait3A_43 = tpu.memref_squeeze %dma_wait3A_42 : memref<1x128xi32, #tpu.memory_space<hbm>> -> memref<128xi32, #tpu.memory_space<hbm>>
        tpu.wait_dma2 semaphore(%run_scoped3A : memref<!tpu.dma_semaphore, #tpu.memory_space<semaphore_mem>>) src(%dma_wait3A_43 : memref<128xi32, #tpu.memory_space<hbm>>) dst(%arg16 : memref<128xi32, #tpu.memory_space<vmem>>)
        tpu.yield
      }) : () -> ()
      "tpu.region"() ({
        %run_scoped3A = tpu.sem_alloc : memref<!tpu.dma_semaphore, #tpu.memory_space<semaphore_mem>>
        %dma_start3A_36 = tpu.memref_slice %arg6[%mul3A_22] : memref<327680xi32, #tpu.memory_space<hbm>> -> memref<128xi32, #tpu.memory_space<hbm>>
        %dma_start3A_37 = tpu.memref_slice %arg6[%mul3A_22] : memref<327680xi32, #tpu.memory_space<hbm>> -> memref<128xi32, #tpu.memory_space<hbm>>
        tpu.enqueue_dma source(%dma_start3A_37 : memref<128xi32, #tpu.memory_space<hbm>>) target(%arg17 : memref<128xi32, #tpu.memory_space<vmem>>) target_semaphore(%run_scoped3A : memref<!tpu.dma_semaphore, #tpu.memory_space<semaphore_mem>>)
        %dma_wait3A_38 = tpu.memref_slice %arg6[%mul3A_22] : memref<327680xi32, #tpu.memory_space<hbm>> -> memref<128xi32, #tpu.memory_space<hbm>>
        %dma_wait3A_39 = tpu.memref_slice %arg6[%mul3A_22] : memref<327680xi32, #tpu.memory_space<hbm>> -> memref<128xi32, #tpu.memory_space<hbm>>
        tpu.wait_dma2 semaphore(%run_scoped3A : memref<!tpu.dma_semaphore, #tpu.memory_space<semaphore_mem>>) src(%dma_wait3A_39 : memref<128xi32, #tpu.memory_space<hbm>>) dst(%arg17 : memref<128xi32, #tpu.memory_space<vmem>>)
        tpu.yield
      }) : () -> ()
      %dma_start3A = arith.constant 0 : i32
      %dma_start3A_23 = arith.constant 0 : i32
      %dma_start3A_24 = tpu.memref_slice %arg2[%dma_start3A, %dma_start3A_23] : memref<20000x64xf32, #tpu.memory_space<hbm>> -> memref<20000x64xf32, #tpu.memory_space<hbm>>
      tpu.enqueue_indirect_dma source(%dma_start3A_24 : memref<20000x64xf32, #tpu.memory_space<hbm>>) target(%arg19 : memref<128x64xf32, #tpu.memory_space<vmem>>) offsets(%arg15 : memref<128xi32, #tpu.memory_space<vmem>>) semaphore(%arg26 : memref<!tpu.dma_semaphore, #tpu.memory_space<semaphore_mem>>)
      %dma_wait3A = arith.constant 0 : i32
      %dma_wait3A_25 = arith.constant 0 : i32
      %dma_wait3A_26 = tpu.memref_slice %arg2[%dma_wait3A, %dma_wait3A_25] : memref<20000x64xf32, #tpu.memory_space<hbm>> -> memref<20000x64xf32, #tpu.memory_space<hbm>>
      tpu.wait_indirect_dma semaphore(%arg26 : memref<!tpu.dma_semaphore, #tpu.memory_space<semaphore_mem>>) src(%dma_wait3A_26 : memref<20000x64xf32, #tpu.memory_space<hbm>>) dst(%arg19 : memref<128x64xf32, #tpu.memory_space<vmem>>)
      %dma_start3A_27 = arith.constant 0 : i32
      %dma_start3A_28 = arith.constant 0 : i32
      %dma_start3A_29 = tpu.memref_slice %arg3[%dma_start3A_27, %dma_start3A_28] : memref<32x64xf32, #tpu.memory_space<hbm>> -> memref<32x64xf32, #tpu.memory_space<hbm>>
      tpu.enqueue_indirect_dma source(%dma_start3A_29 : memref<32x64xf32, #tpu.memory_space<hbm>>) target(%arg20 : memref<128x64xf32, #tpu.memory_space<vmem>>) offsets(%arg16 : memref<128xi32, #tpu.memory_space<vmem>>) semaphore(%arg26 : memref<!tpu.dma_semaphore, #tpu.memory_space<semaphore_mem>>)
      %dma_wait3A_30 = arith.constant 0 : i32
      %dma_wait3A_31 = arith.constant 0 : i32
      %dma_wait3A_32 = tpu.memref_slice %arg3[%dma_wait3A_30, %dma_wait3A_31] : memref<32x64xf32, #tpu.memory_space<hbm>> -> memref<32x64xf32, #tpu.memory_space<hbm>>
      tpu.wait_indirect_dma semaphore(%arg26 : memref<!tpu.dma_semaphore, #tpu.memory_space<semaphore_mem>>) src(%dma_wait3A_32 : memref<32x64xf32, #tpu.memory_space<hbm>>) dst(%arg20 : memref<128x64xf32, #tpu.memory_space<vmem>>)
      %parallel_loop3A_33 = arith.constant 0 : i32
      %parallel_loop3A_34 = arith.constant 128 : i32
      %parallel_loop3A_35 = arith.constant 1 : i32
      scf.for %parallel_loop3A_36 = %parallel_loop3A_33 to %parallel_loop3A_34 step %parallel_loop3A_35  : i32 {
        %parallel_loop3A_37 = arith.index_cast %parallel_loop3A_36 : i32 to index
        %parallel_loop3A_38 = arith.constant 0 : index
        %parallel_loop3A_39 = tpu.vector_load %arg19[%parallel_loop3A_37, %parallel_loop3A_38] {strides = array<i32>} : memref<128x64xf32, #tpu.memory_space<vmem>>, vector<1x16xf32>,
        %parallel_loop3A_40 = vector.shape_cast %parallel_loop3A_39 : vector<1x16xf32> to vector<16xf32>
        %parallel_loop3A_41 = arith.index_cast %parallel_loop3A_36 : i32 to index
        %parallel_loop3A_42 = arith.constant 0 : index
        %parallel_loop3A_43 = tpu.vector_load %arg20[%parallel_loop3A_41, %parallel_loop3A_42] {strides = array<i32>} : memref<128x64xf32, #tpu.memory_space<vmem>>, vector<1x16xf32>,
        %parallel_loop3A_44 = vector.shape_cast %parallel_loop3A_43 : vector<1x16xf32> to vector<16xf32>
        %parallel_loop3A_45 = arith.mulf %parallel_loop3A_40, %parallel_loop3A_44 : vector<16xf32>
        %parallel_loop3A_46 = arith.index_cast %parallel_loop3A_36 : i32 to index
        %parallel_loop3A_47 = arith.constant 0 : index
        %parallel_loop3A_48 = tpu.vector_load %arg19[%parallel_loop3A_46, %parallel_loop3A_47] {strides = array<i32>} : memref<128x64xf32, #tpu.memory_space<vmem>>, vector<1x16xf32>,
        %parallel_loop3A_49 = vector.shape_cast %parallel_loop3A_48 : vector<1x16xf32> to vector<16xf32>
        %parallel_loop3A_50 = vector.shape_cast %parallel_loop3A_45 : vector<16xf32> to vector<1x16xf32>
        tpu.vector_store %arg19[%parallel_loop3A_46, %parallel_loop3A_47], %parallel_loop3A_50 {strides = array<i32>} : memref<128x64xf32, #tpu.memory_space<vmem>>, vector<1x16xf32>,
        %parallel_loop3A_51 = arith.index_cast %parallel_loop3A_36 : i32 to index
        %parallel_loop3A_52 = arith.constant 16 : index
        %parallel_loop3A_53 = tpu.vector_load %arg19[%parallel_loop3A_51, %parallel_loop3A_52] {strides = array<i32>} : memref<128x64xf32, #tpu.memory_space<vmem>>, vector<1x16xf32>,
        %parallel_loop3A_54 = vector.shape_cast %parallel_loop3A_53 : vector<1x16xf32> to vector<16xf32>
        %parallel_loop3A_55 = arith.index_cast %parallel_loop3A_36 : i32 to index
        %parallel_loop3A_56 = arith.constant 16 : index
        %parallel_loop3A_57 = tpu.vector_load %arg20[%parallel_loop3A_55, %parallel_loop3A_56] {strides = array<i32>} : memref<128x64xf32, #tpu.memory_space<vmem>>, vector<1x16xf32>,
        %parallel_loop3A_58 = vector.shape_cast %parallel_loop3A_57 : vector<1x16xf32> to vector<16xf32>
        %parallel_loop3A_59 = arith.mulf %parallel_loop3A_54, %parallel_loop3A_58 : vector<16xf32>
        %parallel_loop3A_60 = arith.index_cast %parallel_loop3A_36 : i32 to index
        %parallel_loop3A_61 = arith.constant 16 : index
        %parallel_loop3A_62 = tpu.vector_load %arg19[%parallel_loop3A_60, %parallel_loop3A_61] {strides = array<i32>} : memref<128x64xf32, #tpu.memory_space<vmem>>, vector<1x16xf32>,
        %parallel_loop3A_63 = vector.shape_cast %parallel_loop3A_62 : vector<1x16xf32> to vector<16xf32>
        %parallel_loop3A_64 = vector.shape_cast %parallel_loop3A_59 : vector<16xf32> to vector<1x16xf32>
        tpu.vector_store %arg19[%parallel_loop3A_60, %parallel_loop3A_61], %parallel_loop3A_64 {strides = array<i32>} : memref<128x64xf32, #tpu.memory_space<vmem>>, vector<1x16xf32>,
        %parallel_loop3A_65 = arith.index_cast %parallel_loop3A_36 : i32 to index
        %parallel_loop3A_66 = arith.constant 32 : index
        %parallel_loop3A_67 = tpu.vector_load %arg19[%parallel_loop3A_65, %parallel_loop3A_66] {strides = array<i32>} : memref<128x64xf32, #tpu.memory_space<vmem>>, vector<1x16xf32>,
        %parallel_loop3A_68 = vector.shape_cast %parallel_loop3A_67 : vector<1x16xf32> to vector<16xf32>
        %parallel_loop3A_69 = arith.index_cast %parallel_loop3A_36 : i32 to index
        %parallel_loop3A_70 = arith.constant 32 : index
        %parallel_loop3A_71 = tpu.vector_load %arg20[%parallel_loop3A_69, %parallel_loop3A_70] {strides = array<i32>} : memref<128x64xf32, #tpu.memory_space<vmem>>, vector<1x16xf32>,
        %parallel_loop3A_72 = vector.shape_cast %parallel_loop3A_71 : vector<1x16xf32> to vector<16xf32>
        %parallel_loop3A_73 = arith.mulf %parallel_loop3A_68, %parallel_loop3A_72 : vector<16xf32>
        %parallel_loop3A_74 = arith.index_cast %parallel_loop3A_36 : i32 to index
        %parallel_loop3A_75 = arith.constant 32 : index
        %parallel_loop3A_76 = tpu.vector_load %arg19[%parallel_loop3A_74, %parallel_loop3A_75] {strides = array<i32>} : memref<128x64xf32, #tpu.memory_space<vmem>>, vector<1x16xf32>,
        %parallel_loop3A_77 = vector.shape_cast %parallel_loop3A_76 : vector<1x16xf32> to vector<16xf32>
        %parallel_loop3A_78 = vector.shape_cast %parallel_loop3A_73 : vector<16xf32> to vector<1x16xf32>
        tpu.vector_store %arg19[%parallel_loop3A_74, %parallel_loop3A_75], %parallel_loop3A_78 {strides = array<i32>} : memref<128x64xf32, #tpu.memory_space<vmem>>, vector<1x16xf32>,
        %parallel_loop3A_79 = arith.index_cast %parallel_loop3A_36 : i32 to index
        %parallel_loop3A_80 = arith.constant 48 : index
        %parallel_loop3A_81 = tpu.vector_load %arg19[%parallel_loop3A_79, %parallel_loop3A_80] {strides = array<i32>} : memref<128x64xf32, #tpu.memory_space<vmem>>, vector<1x16xf32>,
        %parallel_loop3A_82 = vector.shape_cast %parallel_loop3A_81 : vector<1x16xf32> to vector<16xf32>
        %parallel_loop3A_83 = arith.index_cast %parallel_loop3A_36 : i32 to index
        %parallel_loop3A_84 = arith.constant 48 : index
        %parallel_loop3A_85 = tpu.vector_load %arg20[%parallel_loop3A_83, %parallel_loop3A_84] {strides = array<i32>} : memref<128x64xf32, #tpu.memory_space<vmem>>, vector<1x16xf32>,
        %parallel_loop3A_86 = vector.shape_cast %parallel_loop3A_85 : vector<1x16xf32> to vector<16xf32>
        %parallel_loop3A_87 = arith.mulf %parallel_loop3A_82, %parallel_loop3A_86 : vector<16xf32>
        %parallel_loop3A_88 = arith.index_cast %parallel_loop3A_36 : i32 to index
        %parallel_loop3A_89 = arith.constant 48 : index
        %parallel_loop3A_90 = tpu.vector_load %arg19[%parallel_loop3A_88, %parallel_loop3A_89] {strides = array<i32>} : memref<128x64xf32, #tpu.memory_space<vmem>>, vector<1x16xf32>,
        %parallel_loop3A_91 = vector.shape_cast %parallel_loop3A_90 : vector<1x16xf32> to vector<16xf32>
        %parallel_loop3A_92 = vector.shape_cast %parallel_loop3A_87 : vector<16xf32> to vector<1x16xf32>
        tpu.vector_store %arg19[%parallel_loop3A_88, %parallel_loop3A_89], %parallel_loop3A_92 {strides = array<i32>} : memref<128x64xf32, #tpu.memory_space<vmem>>, vector<1x16xf32>,
      } {sc.loop_unroll_factor = 8 : i64, sc.parallel_access}
      "tpu.region"() ({
        %run_scoped3A = tpu.sem_alloc : memref<!tpu.dma_semaphore, #tpu.memory_space<semaphore_mem>>
        %dma_start3A_36 = arith.constant 0 : i32
        %dma_start3A_37 = arith.constant 0 : i32
        %dma_start3A_38 = tpu.memref_slice %arg24[%dma_start3A_36, %dma_start3A_37] : memref<10112x64xf32, #tpu.memory_space<vmem_shared>> -> memref<10112x64xf32, #tpu.memory_space<vmem_shared>>
        tpu.enqueue_indirect_dma source(%arg19 : memref<128x64xf32, #tpu.memory_space<vmem>>) target(%dma_start3A_38 : memref<10112x64xf32, #tpu.memory_space<vmem_shared>>) offsets(%arg17 : memref<128xi32, #tpu.memory_space<vmem>>) semaphore(%run_scoped3A : memref<!tpu.dma_semaphore, #tpu.memory_space<semaphore_mem>>) {add = true}
        %dma_wait3A_39 = arith.constant 0 : i32
        %dma_wait3A_40 = arith.constant 0 : i32
        %dma_wait3A_41 = tpu.memref_slice %arg24[%dma_wait3A_39, %dma_wait3A_40] : memref<10112x64xf32, #tpu.memory_space<vmem_shared>> -> memref<10112x64xf32, #tpu.memory_space<vmem_shared>>
        tpu.wait_indirect_dma semaphore(%run_scoped3A : memref<!tpu.dma_semaphore, #tpu.memory_space<semaphore_mem>>) src(%arg19 : memref<128x64xf32, #tpu.memory_space<vmem>>) dst(%dma_wait3A_41 : memref<10112x64xf32, #tpu.memory_space<vmem_shared>>)
        tpu.yield
      }) : () -> ()
      "tpu.region"() ({
        %run_scoped3A = tpu.sem_alloc : memref<!tpu.dma_semaphore, #tpu.memory_space<semaphore_mem>>
        %dma_start3A_36 = arith.constant 0 : i32
        %dma_start3A_37 = arith.constant 0 : i32
        %dma_start3A_38 = tpu.memref_slice %arg25[%dma_start3A_36, %dma_start3A_37] : memref<10112x16xf32, #tpu.memory_space<vmem_shared>> -> memref<10112x16xf32, #tpu.memory_space<vmem_shared>>
        tpu.enqueue_indirect_dma source(%arg21 : memref<128x16xf32, #tpu.memory_space<vmem>>) target(%dma_start3A_38 : memref<10112x16xf32, #tpu.memory_space<vmem_shared>>) offsets(%arg17 : memref<128xi32, #tpu.memory_space<vmem>>) semaphore(%run_scoped3A : memref<!tpu.dma_semaphore, #tpu.memory_space<semaphore_mem>>) {add = true}
        %dma_wait3A_39 = arith.constant 0 : i32
        %dma_wait3A_40 = arith.constant 0 : i32
        %dma_wait3A_41 = tpu.memref_slice %arg25[%dma_wait3A_39, %dma_wait3A_40] : memref<10112x16xf32, #tpu.memory_space<vmem_shared>> -> memref<10112x16xf32, #tpu.memory_space<vmem_shared>>
        tpu.wait_indirect_dma semaphore(%run_scoped3A : memref<!tpu.dma_semaphore, #tpu.memory_space<semaphore_mem>>) src(%arg21 : memref<128x16xf32, #tpu.memory_space<vmem>>) dst(%dma_wait3A_41 : memref<10112x16xf32, #tpu.memory_space<vmem_shared>>)
        tpu.yield
      }) : () -> ()
    }
    %scan3A_5 = arith.constant 160 : i32
    %barrier3A_6 = arith.constant 0 : index
    tpu.barrier barrier_id(%barrier3A_6)
    "tpu.region"() ({
      %run_scoped3A = tpu.sem_alloc : memref<!tpu.dma_semaphore, #tpu.memory_space<semaphore_mem>>
      %dma_start3A = arith.constant 0 : i32
      %dma_start3A_18 = tpu.memref_slice %arg24[%mul3A_0, %dma_start3A] : memref<10112x64xf32, #tpu.memory_space<vmem_shared>> -> memref<632x64xf32, #tpu.memory_space<vmem_shared>>
      %dma_start3A_19 = arith.constant 0 : i32
      %dma_start3A_20 = tpu.memref_slice %arg24[%mul3A_0, %dma_start3A_19] : memref<10112x64xf32, #tpu.memory_space<vmem_shared>> -> memref<632x64xf32, #tpu.memory_space<vmem_shared>>
      tpu.enqueue_dma source(%dma_start3A_20 : memref<632x64xf32, #tpu.memory_space<vmem_shared>>) target(%arg22 : memref<632x64xf32, #tpu.memory_space<vmem>>) target_semaphore(%run_scoped3A : memref<!tpu.dma_semaphore, #tpu.memory_space<semaphore_mem>>)
      %dma_wait3A = arith.constant 0 : i32
      %dma_wait3A_21 = tpu.memref_slice %arg24[%mul3A_0, %dma_wait3A] : memref<10112x64xf32, #tpu.memory_space<vmem_shared>> -> memref<632x64xf32, #tpu.memory_space<vmem_shared>>
      %dma_wait3A_22 = arith.constant 0 : i32
      %dma_wait3A_23 = tpu.memref_slice %arg24[%mul3A_0, %dma_wait3A_22] : memref<10112x64xf32, #tpu.memory_space<vmem_shared>> -> memref<632x64xf32, #tpu.memory_space<vmem_shared>>
      tpu.wait_dma2 semaphore(%run_scoped3A : memref<!tpu.dma_semaphore, #tpu.memory_space<semaphore_mem>>) src(%dma_wait3A_23 : memref<632x64xf32, #tpu.memory_space<vmem_shared>>) dst(%arg22 : memref<632x64xf32, #tpu.memory_space<vmem>>)
      tpu.yield
    }) : () -> ()
    "tpu.region"() ({
      %run_scoped3A = tpu.sem_alloc : memref<!tpu.dma_semaphore, #tpu.memory_space<semaphore_mem>>
      %dma_start3A = arith.constant 0 : i32
      %dma_start3A_18 = tpu.memref_slice %arg25[%mul3A_0, %dma_start3A] : memref<10112x16xf32, #tpu.memory_space<vmem_shared>> -> memref<632x16xf32, #tpu.memory_space<vmem_shared>>
      %dma_start3A_19 = arith.constant 0 : i32
      %dma_start3A_20 = tpu.memref_slice %arg25[%mul3A_0, %dma_start3A_19] : memref<10112x16xf32, #tpu.memory_space<vmem_shared>> -> memref<632x16xf32, #tpu.memory_space<vmem_shared>>
      tpu.enqueue_dma source(%dma_start3A_20 : memref<632x16xf32, #tpu.memory_space<vmem_shared>>) target(%arg23 : memref<632x16xf32, #tpu.memory_space<vmem>>) target_semaphore(%run_scoped3A : memref<!tpu.dma_semaphore, #tpu.memory_space<semaphore_mem>>)
      %dma_wait3A = arith.constant 0 : i32
      %dma_wait3A_21 = tpu.memref_slice %arg25[%mul3A_0, %dma_wait3A] : memref<10112x16xf32, #tpu.memory_space<vmem_shared>> -> memref<632x16xf32, #tpu.memory_space<vmem_shared>>
      %dma_wait3A_22 = arith.constant 0 : i32
      %dma_wait3A_23 = tpu.memref_slice %arg25[%mul3A_0, %dma_wait3A_22] : memref<10112x16xf32, #tpu.memory_space<vmem_shared>> -> memref<632x16xf32, #tpu.memory_space<vmem_shared>>
      tpu.wait_dma2 semaphore(%run_scoped3A : memref<!tpu.dma_semaphore, #tpu.memory_space<semaphore_mem>>) src(%dma_wait3A_23 : memref<632x16xf32, #tpu.memory_space<vmem_shared>>) dst(%arg23 : memref<632x16xf32, #tpu.memory_space<vmem>>)
      tpu.yield
    }) : () -> ()
    %parallel_loop3A = arith.constant 0 : i32
    %parallel_loop3A_7 = arith.constant 632 : i32
    %parallel_loop3A_8 = arith.constant 1 : i32
    scf.for %parallel_loop3A_18 = %parallel_loop3A to %parallel_loop3A_7 step %parallel_loop3A_8  : i32 {
      %parallel_loop3A_19 = arith.index_cast %parallel_loop3A_18 : i32 to index
      %parallel_loop3A_20 = arith.constant 0 : index
      %parallel_loop3A_21 = tpu.vector_load %arg23[%parallel_loop3A_19, %parallel_loop3A_20] {strides = array<i32>} : memref<632x16xf32, #tpu.memory_space<vmem>>, vector<1x16xf32>,
      %parallel_loop3A_22 = vector.shape_cast %parallel_loop3A_21 : vector<1x16xf32> to vector<16xf32>
      %parallel_loop3A_23 = arith.constant 1.000000e+00 : f32
      %parallel_loop3A_24 = vector.broadcast %parallel_loop3A_23 : f32 to vector<16xf32>
      %parallel_loop3A_25 = arith.maximumf %parallel_loop3A_22, %parallel_loop3A_24 : vector<16xf32>
      %parallel_loop3A_26 = arith.constant 1.000000e+00 : f32
      %parallel_loop3A_27 = vector.broadcast %parallel_loop3A_26 : f32 to vector<16xf32>
      %parallel_loop3A_28 = arith.divf %parallel_loop3A_27, %parallel_loop3A_25 : vector<16xf32>
      %parallel_loop3A_29 = arith.index_cast %parallel_loop3A_18 : i32 to index
      %parallel_loop3A_30 = arith.constant 0 : index
      %parallel_loop3A_31 = tpu.vector_load %arg22[%parallel_loop3A_29, %parallel_loop3A_30] {strides = array<i32>} : memref<632x64xf32, #tpu.memory_space<vmem>>, vector<1x16xf32>,
      %parallel_loop3A_32 = vector.shape_cast %parallel_loop3A_31 : vector<1x16xf32> to vector<16xf32>
      %parallel_loop3A_33 = arith.mulf %parallel_loop3A_32, %parallel_loop3A_28 : vector<16xf32>
      %parallel_loop3A_34 = arith.index_cast %parallel_loop3A_18 : i32 to index
      %parallel_loop3A_35 = arith.constant 0 : index
      %parallel_loop3A_36 = tpu.vector_load %arg22[%parallel_loop3A_34, %parallel_loop3A_35] {strides = array<i32>} : memref<632x64xf32, #tpu.memory_space<vmem>>, vector<1x16xf32>,
      %parallel_loop3A_37 = vector.shape_cast %parallel_loop3A_36 : vector<1x16xf32> to vector<16xf32>
      %parallel_loop3A_38 = vector.shape_cast %parallel_loop3A_33 : vector<16xf32> to vector<1x16xf32>
      tpu.vector_store %arg22[%parallel_loop3A_34, %parallel_loop3A_35], %parallel_loop3A_38 {strides = array<i32>} : memref<632x64xf32, #tpu.memory_space<vmem>>, vector<1x16xf32>,
      %parallel_loop3A_39 = arith.index_cast %parallel_loop3A_18 : i32 to index
      %parallel_loop3A_40 = arith.constant 16 : index
      %parallel_loop3A_41 = tpu.vector_load %arg22[%parallel_loop3A_39, %parallel_loop3A_40] {strides = array<i32>} : memref<632x64xf32, #tpu.memory_space<vmem>>, vector<1x16xf32>,
      %parallel_loop3A_42 = vector.shape_cast %parallel_loop3A_41 : vector<1x16xf32> to vector<16xf32>
      %parallel_loop3A_43 = arith.mulf %parallel_loop3A_42, %parallel_loop3A_28 : vector<16xf32>
      %parallel_loop3A_44 = arith.index_cast %parallel_loop3A_18 : i32 to index
      %parallel_loop3A_45 = arith.constant 16 : index
      %parallel_loop3A_46 = tpu.vector_load %arg22[%parallel_loop3A_44, %parallel_loop3A_45] {strides = array<i32>} : memref<632x64xf32, #tpu.memory_space<vmem>>, vector<1x16xf32>,
      %parallel_loop3A_47 = vector.shape_cast %parallel_loop3A_46 : vector<1x16xf32> to vector<16xf32>
      %parallel_loop3A_48 = vector.shape_cast %parallel_loop3A_43 : vector<16xf32> to vector<1x16xf32>
      tpu.vector_store %arg22[%parallel_loop3A_44, %parallel_loop3A_45], %parallel_loop3A_48 {strides = array<i32>} : memref<632x64xf32, #tpu.memory_space<vmem>>, vector<1x16xf32>,
      %parallel_loop3A_49 = arith.index_cast %parallel_loop3A_18 : i32 to index
      %parallel_loop3A_50 = arith.constant 32 : index
      %parallel_loop3A_51 = tpu.vector_load %arg22[%parallel_loop3A_49, %parallel_loop3A_50] {strides = array<i32>} : memref<632x64xf32, #tpu.memory_space<vmem>>, vector<1x16xf32>,
      %parallel_loop3A_52 = vector.shape_cast %parallel_loop3A_51 : vector<1x16xf32> to vector<16xf32>
      %parallel_loop3A_53 = arith.mulf %parallel_loop3A_52, %parallel_loop3A_28 : vector<16xf32>
      %parallel_loop3A_54 = arith.index_cast %parallel_loop3A_18 : i32 to index
      %parallel_loop3A_55 = arith.constant 32 : index
      %parallel_loop3A_56 = tpu.vector_load %arg22[%parallel_loop3A_54, %parallel_loop3A_55] {strides = array<i32>} : memref<632x64xf32, #tpu.memory_space<vmem>>, vector<1x16xf32>,
      %parallel_loop3A_57 = vector.shape_cast %parallel_loop3A_56 : vector<1x16xf32> to vector<16xf32>
      %parallel_loop3A_58 = vector.shape_cast %parallel_loop3A_53 : vector<16xf32> to vector<1x16xf32>
      tpu.vector_store %arg22[%parallel_loop3A_54, %parallel_loop3A_55], %parallel_loop3A_58 {strides = array<i32>} : memref<632x64xf32, #tpu.memory_space<vmem>>, vector<1x16xf32>,
      %parallel_loop3A_59 = arith.index_cast %parallel_loop3A_18 : i32 to index
      %parallel_loop3A_60 = arith.constant 48 : index
      %parallel_loop3A_61 = tpu.vector_load %arg22[%parallel_loop3A_59, %parallel_loop3A_60] {strides = array<i32>} : memref<632x64xf32, #tpu.memory_space<vmem>>, vector<1x16xf32>,
      %parallel_loop3A_62 = vector.shape_cast %parallel_loop3A_61 : vector<1x16xf32> to vector<16xf32>
      %parallel_loop3A_63 = arith.mulf %parallel_loop3A_62, %parallel_loop3A_28 : vector<16xf32>
      %parallel_loop3A_64 = arith.index_cast %parallel_loop3A_18 : i32 to index
      %parallel_loop3A_65 = arith.constant 48 : index
      %parallel_loop3A_66 = tpu.vector_load %arg22[%parallel_loop3A_64, %parallel_loop3A_65] {strides = array<i32>} : memref<632x64xf32, #tpu.memory_space<vmem>>, vector<1x16xf32>,
      %parallel_loop3A_67 = vector.shape_cast %parallel_loop3A_66 : vector<1x16xf32> to vector<16xf32>
      %parallel_loop3A_68 = vector.shape_cast %parallel_loop3A_63 : vector<16xf32> to vector<1x16xf32>
      tpu.vector_store %arg22[%parallel_loop3A_64, %parallel_loop3A_65], %parallel_loop3A_68 {strides = array<i32>} : memref<632x64xf32, #tpu.memory_space<vmem>>, vector<1x16xf32>,
    } {sc.loop_unroll_factor = 4 : i64, sc.parallel_access}
    "tpu.region"() ({
      %run_scoped3A = tpu.sem_alloc : memref<!tpu.dma_semaphore, #tpu.memory_space<semaphore_mem>>
      %dma_start3A = arith.constant 0 : i32
      %dma_start3A_18 = tpu.memref_slice %arg13[%arg0, %mul3A_0, %dma_start3A] : memref<2x10112x64xf32, #tpu.memory_space<hbm>> -> memref<1x632x64xf32, #tpu.memory_space<hbm>>
      %dma_start3A_19 = tpu.memref_squeeze %dma_start3A_18 : memref<1x632x64xf32, #tpu.memory_space<hbm>> -> memref<632x64xf32, #tpu.memory_space<hbm>>
      %dma_start3A_20 = arith.constant 0 : i32
      %dma_start3A_21 = tpu.memref_slice %arg13[%arg0, %mul3A_0, %dma_start3A_20] : memref<2x10112x64xf32, #tpu.memory_space<hbm>> -> memref<1x632x64xf32, #tpu.memory_space<hbm>>
      %dma_start3A_22 = tpu.memref_squeeze %dma_start3A_21 : memref<1x632x64xf32, #tpu.memory_space<hbm>> -> memref<632x64xf32, #tpu.memory_space<hbm>>
      tpu.enqueue_dma source(%arg22 : memref<632x64xf32, #tpu.memory_space<vmem>>) target(%dma_start3A_22 : memref<632x64xf32, #tpu.memory_space<hbm>>) target_semaphore(%run_scoped3A : memref<!tpu.dma_semaphore, #tpu.memory_space<semaphore_mem>>)
      %dma_wait3A = arith.constant 0 : i32
      %dma_wait3A_23 = tpu.memref_slice %arg13[%arg0, %mul3A_0, %dma_wait3A] : memref<2x10112x64xf32, #tpu.memory_space<hbm>> -> memref<1x632x64xf32, #tpu.memory_space<hbm>>
      %dma_wait3A_24 = tpu.memref_squeeze %dma_wait3A_23 : memref<1x632x64xf32, #tpu.memory_space<hbm>> -> memref<632x64xf32, #tpu.memory_space<hbm>>
      %dma_wait3A_25 = arith.constant 0 : i32
      %dma_wait3A_26 = tpu.memref_slice %arg13[%arg0, %mul3A_0, %dma_wait3A_25] : memref<2x10112x64xf32, #tpu.memory_space<hbm>> -> memref<1x632x64xf32, #tpu.memory_space<hbm>>
      %dma_wait3A_27 = tpu.memref_squeeze %dma_wait3A_26 : memref<1x632x64xf32, #tpu.memory_space<hbm>> -> memref<632x64xf32, #tpu.memory_space<hbm>>
      tpu.wait_dma2 semaphore(%run_scoped3A : memref<!tpu.dma_semaphore, #tpu.memory_space<semaphore_mem>>) src(%arg22 : memref<632x64xf32, #tpu.memory_space<vmem>>) dst(%dma_wait3A_27 : memref<632x64xf32, #tpu.memory_space<hbm>>)
      tpu.yield
    }) : () -> ()
    %barrier3A_9 = arith.constant 0 : index
    tpu.barrier barrier_id(%barrier3A_9)
    "tpu.region"() ({
      %run_scoped3A = tpu.sem_alloc : memref<!tpu.dma_semaphore, #tpu.memory_space<semaphore_mem>>
      %dma_start3A = arith.constant 0 : i32
      %dma_start3A_18 = tpu.memref_slice %arg24[%mul3A_0, %dma_start3A] : memref<10112x64xf32, #tpu.memory_space<vmem_shared>> -> memref<632x64xf32, #tpu.memory_space<vmem_shared>>
      tpu.enqueue_dma source(%arg10 : memref<632x64xf32, #tpu.memory_space<hbm>>) target(%dma_start3A_18 : memref<632x64xf32, #tpu.memory_space<vmem_shared>>) target_semaphore(%run_scoped3A : memref<!tpu.dma_semaphore, #tpu.memory_space<semaphore_mem>>)
      %dma_wait3A = arith.constant 0 : i32
      %dma_wait3A_19 = tpu.memref_slice %arg24[%mul3A_0, %dma_wait3A] : memref<10112x64xf32, #tpu.memory_space<vmem_shared>> -> memref<632x64xf32, #tpu.memory_space<vmem_shared>>
      tpu.wait_dma2 semaphore(%run_scoped3A : memref<!tpu.dma_semaphore, #tpu.memory_space<semaphore_mem>>) src(%arg10 : memref<632x64xf32, #tpu.memory_space<hbm>>) dst(%dma_wait3A_19 : memref<632x64xf32, #tpu.memory_space<vmem_shared>>)
      tpu.yield
    }) : () -> ()
    %barrier3A_10 = arith.constant 0 : index
    tpu.barrier barrier_id(%barrier3A_10)
    %scan3A_11 = arith.constant 0 : i32
    %scan3A_12 = arith.constant 0 : i32
    %scan3A_13 = arith.constant 100 : i32
    %scan3A_14 = arith.addi %scan3A_12, %scan3A_13 : i32
    %scan3A_15 = arith.constant 1 : i32
    scf.for %scan3A_18 = %scan3A_12 to %scan3A_14 step %scan3A_15  : i32 {
      %mul3A_19 = arith.constant 100 : i32
      %mul3A_20 = arith.muli %arg1, %mul3A_19 : i32
      %add3A = arith.addi %mul3A_20, %scan3A_18 : i32
      %mul3A_21 = arith.constant 128 : i32
      %mul3A_22 = arith.muli %add3A, %mul3A_21 : i32
      "tpu.region"() ({
        %run_scoped3A = tpu.sem_alloc : memref<!tpu.dma_semaphore, #tpu.memory_space<semaphore_mem>>
        %dma_start3A_30 = tpu.memref_slice %arg7[%arg0, %mul3A_22] : memref<2x204800xi32, #tpu.memory_space<hbm>> -> memref<1x128xi32, #tpu.memory_space<hbm>>
        %dma_start3A_31 = tpu.memref_squeeze %dma_start3A_30 : memref<1x128xi32, #tpu.memory_space<hbm>> -> memref<128xi32, #tpu.memory_space<hbm>>
        %dma_start3A_32 = tpu.memref_slice %arg7[%arg0, %mul3A_22] : memref<2x204800xi32, #tpu.memory_space<hbm>> -> memref<1x128xi32, #tpu.memory_space<hbm>>
        %dma_start3A_33 = tpu.memref_squeeze %dma_start3A_32 : memref<1x128xi32, #tpu.memory_space<hbm>> -> memref<128xi32, #tpu.memory_space<hbm>>
        tpu.enqueue_dma source(%dma_start3A_33 : memref<128xi32, #tpu.memory_space<hbm>>) target(%arg15 : memref<128xi32, #tpu.memory_space<vmem>>) target_semaphore(%run_scoped3A : memref<!tpu.dma_semaphore, #tpu.memory_space<semaphore_mem>>)
        %dma_wait3A_34 = tpu.memref_slice %arg7[%arg0, %mul3A_22] : memref<2x204800xi32, #tpu.memory_space<hbm>> -> memref<1x128xi32, #tpu.memory_space<hbm>>
        %dma_wait3A_35 = tpu.memref_squeeze %dma_wait3A_34 : memref<1x128xi32, #tpu.memory_space<hbm>> -> memref<128xi32, #tpu.memory_space<hbm>>
        %dma_wait3A_36 = tpu.memref_slice %arg7[%arg0, %mul3A_22] : memref<2x204800xi32, #tpu.memory_space<hbm>> -> memref<1x128xi32, #tpu.memory_space<hbm>>
        %dma_wait3A_37 = tpu.memref_squeeze %dma_wait3A_36 : memref<1x128xi32, #tpu.memory_space<hbm>> -> memref<128xi32, #tpu.memory_space<hbm>>
        tpu.wait_dma2 semaphore(%run_scoped3A : memref<!tpu.dma_semaphore, #tpu.memory_space<semaphore_mem>>) src(%dma_wait3A_37 : memref<128xi32, #tpu.memory_space<hbm>>) dst(%arg15 : memref<128xi32, #tpu.memory_space<vmem>>)
        tpu.yield
      }) : () -> ()
      "tpu.region"() ({
        %run_scoped3A = tpu.sem_alloc : memref<!tpu.dma_semaphore, #tpu.memory_space<semaphore_mem>>
        %dma_start3A_30 = tpu.memref_slice %arg9[%mul3A_22] : memref<204800xi32, #tpu.memory_space<hbm>> -> memref<128xi32, #tpu.memory_space<hbm>>
        %dma_start3A_31 = tpu.memref_slice %arg9[%mul3A_22] : memref<204800xi32, #tpu.memory_space<hbm>> -> memref<128xi32, #tpu.memory_space<hbm>>
        tpu.enqueue_dma source(%dma_start3A_31 : memref<128xi32, #tpu.memory_space<hbm>>) target(%arg17 : memref<128xi32, #tpu.memory_space<vmem>>) target_semaphore(%run_scoped3A : memref<!tpu.dma_semaphore, #tpu.memory_space<semaphore_mem>>)
        %dma_wait3A_32 = tpu.memref_slice %arg9[%mul3A_22] : memref<204800xi32, #tpu.memory_space<hbm>> -> memref<128xi32, #tpu.memory_space<hbm>>
        %dma_wait3A_33 = tpu.memref_slice %arg9[%mul3A_22] : memref<204800xi32, #tpu.memory_space<hbm>> -> memref<128xi32, #tpu.memory_space<hbm>>
        tpu.wait_dma2 semaphore(%run_scoped3A : memref<!tpu.dma_semaphore, #tpu.memory_space<semaphore_mem>>) src(%dma_wait3A_33 : memref<128xi32, #tpu.memory_space<hbm>>) dst(%arg17 : memref<128xi32, #tpu.memory_space<vmem>>)
        tpu.yield
      }) : () -> ()
      "tpu.region"() ({
        %run_scoped3A = tpu.sem_alloc : memref<!tpu.dma_semaphore, #tpu.memory_space<semaphore_mem>>
        %dma_start3A_30 = arith.constant 0 : i32
        %dma_start3A_31 = tpu.memref_slice %arg8[%mul3A_22, %dma_start3A_30] : memref<204800x16xf32, #tpu.memory_space<hbm>> -> memref<128x16xf32, #tpu.memory_space<hbm>>
        %dma_start3A_32 = arith.constant 0 : i32
        %dma_start3A_33 = tpu.memref_slice %arg8[%mul3A_22, %dma_start3A_32] : memref<204800x16xf32, #tpu.memory_space<hbm>> -> memref<128x16xf32, #tpu.memory_space<hbm>>
        tpu.enqueue_dma source(%dma_start3A_33 : memref<128x16xf32, #tpu.memory_space<hbm>>) target(%arg18 : memref<128x16xf32, #tpu.memory_space<vmem>>) target_semaphore(%run_scoped3A : memref<!tpu.dma_semaphore, #tpu.memory_space<semaphore_mem>>)
        %dma_wait3A_34 = arith.constant 0 : i32
        %dma_wait3A_35 = tpu.memref_slice %arg8[%mul3A_22, %dma_wait3A_34] : memref<204800x16xf32, #tpu.memory_space<hbm>> -> memref<128x16xf32, #tpu.memory_space<hbm>>
        %dma_wait3A_36 = arith.constant 0 : i32
        %dma_wait3A_37 = tpu.memref_slice %arg8[%mul3A_22, %dma_wait3A_36] : memref<204800x16xf32, #tpu.memory_space<hbm>> -> memref<128x16xf32, #tpu.memory_space<hbm>>
        tpu.wait_dma2 semaphore(%run_scoped3A : memref<!tpu.dma_semaphore, #tpu.memory_space<semaphore_mem>>) src(%dma_wait3A_37 : memref<128x16xf32, #tpu.memory_space<hbm>>) dst(%arg18 : memref<128x16xf32, #tpu.memory_space<vmem>>)
        tpu.yield
      }) : () -> ()
      %dma_start3A = arith.constant 0 : i32
      %dma_start3A_23 = arith.constant 0 : i32
      %dma_start3A_24 = tpu.memref_slice %arg2[%dma_start3A, %dma_start3A_23] : memref<20000x64xf32, #tpu.memory_space<hbm>> -> memref<20000x64xf32, #tpu.memory_space<hbm>>
      tpu.enqueue_indirect_dma source(%dma_start3A_24 : memref<20000x64xf32, #tpu.memory_space<hbm>>) target(%arg19 : memref<128x64xf32, #tpu.memory_space<vmem>>) offsets(%arg15 : memref<128xi32, #tpu.memory_space<vmem>>) semaphore(%arg26 : memref<!tpu.dma_semaphore, #tpu.memory_space<semaphore_mem>>)
      %dma_wait3A = arith.constant 0 : i32
      %dma_wait3A_25 = arith.constant 0 : i32
      %dma_wait3A_26 = tpu.memref_slice %arg2[%dma_wait3A, %dma_wait3A_25] : memref<20000x64xf32, #tpu.memory_space<hbm>> -> memref<20000x64xf32, #tpu.memory_space<hbm>>
      tpu.wait_indirect_dma semaphore(%arg26 : memref<!tpu.dma_semaphore, #tpu.memory_space<semaphore_mem>>) src(%dma_wait3A_26 : memref<20000x64xf32, #tpu.memory_space<hbm>>) dst(%arg19 : memref<128x64xf32, #tpu.memory_space<vmem>>)
      %parallel_loop3A_27 = arith.constant 0 : i32
      %parallel_loop3A_28 = arith.constant 128 : i32
      %parallel_loop3A_29 = arith.constant 1 : i32
      scf.for %parallel_loop3A_30 = %parallel_loop3A_27 to %parallel_loop3A_28 step %parallel_loop3A_29  : i32 {
        %parallel_loop3A_31 = arith.index_cast %parallel_loop3A_30 : i32 to index
        %parallel_loop3A_32 = arith.constant 0 : index
        %parallel_loop3A_33 = tpu.vector_load %arg18[%parallel_loop3A_31, %parallel_loop3A_32] {strides = array<i32>} : memref<128x16xf32, #tpu.memory_space<vmem>>, vector<1x16xf32>,
        %parallel_loop3A_34 = vector.shape_cast %parallel_loop3A_33 : vector<1x16xf32> to vector<16xf32>
        %parallel_loop3A_35 = arith.index_cast %parallel_loop3A_30 : i32 to index
        %parallel_loop3A_36 = arith.constant 0 : index
        %parallel_loop3A_37 = tpu.vector_load %arg19[%parallel_loop3A_35, %parallel_loop3A_36] {strides = array<i32>} : memref<128x64xf32, #tpu.memory_space<vmem>>, vector<1x16xf32>,
        %parallel_loop3A_38 = vector.shape_cast %parallel_loop3A_37 : vector<1x16xf32> to vector<16xf32>
        %parallel_loop3A_39 = arith.mulf %parallel_loop3A_38, %parallel_loop3A_34 : vector<16xf32>
        %parallel_loop3A_40 = arith.index_cast %parallel_loop3A_30 : i32 to index
        %parallel_loop3A_41 = arith.constant 0 : index
        %parallel_loop3A_42 = tpu.vector_load %arg19[%parallel_loop3A_40, %parallel_loop3A_41] {strides = array<i32>} : memref<128x64xf32, #tpu.memory_space<vmem>>, vector<1x16xf32>,
        %parallel_loop3A_43 = vector.shape_cast %parallel_loop3A_42 : vector<1x16xf32> to vector<16xf32>
        %parallel_loop3A_44 = vector.shape_cast %parallel_loop3A_39 : vector<16xf32> to vector<1x16xf32>
        tpu.vector_store %arg19[%parallel_loop3A_40, %parallel_loop3A_41], %parallel_loop3A_44 {strides = array<i32>} : memref<128x64xf32, #tpu.memory_space<vmem>>, vector<1x16xf32>,
        %parallel_loop3A_45 = arith.index_cast %parallel_loop3A_30 : i32 to index
        %parallel_loop3A_46 = arith.constant 16 : index
        %parallel_loop3A_47 = tpu.vector_load %arg19[%parallel_loop3A_45, %parallel_loop3A_46] {strides = array<i32>} : memref<128x64xf32, #tpu.memory_space<vmem>>, vector<1x16xf32>,
        %parallel_loop3A_48 = vector.shape_cast %parallel_loop3A_47 : vector<1x16xf32> to vector<16xf32>
        %parallel_loop3A_49 = arith.mulf %parallel_loop3A_48, %parallel_loop3A_34 : vector<16xf32>
        %parallel_loop3A_50 = arith.index_cast %parallel_loop3A_30 : i32 to index
        %parallel_loop3A_51 = arith.constant 16 : index
        %parallel_loop3A_52 = tpu.vector_load %arg19[%parallel_loop3A_50, %parallel_loop3A_51] {strides = array<i32>} : memref<128x64xf32, #tpu.memory_space<vmem>>, vector<1x16xf32>,
        %parallel_loop3A_53 = vector.shape_cast %parallel_loop3A_52 : vector<1x16xf32> to vector<16xf32>
        %parallel_loop3A_54 = vector.shape_cast %parallel_loop3A_49 : vector<16xf32> to vector<1x16xf32>
        tpu.vector_store %arg19[%parallel_loop3A_50, %parallel_loop3A_51], %parallel_loop3A_54 {strides = array<i32>} : memref<128x64xf32, #tpu.memory_space<vmem>>, vector<1x16xf32>,
        %parallel_loop3A_55 = arith.index_cast %parallel_loop3A_30 : i32 to index
        %parallel_loop3A_56 = arith.constant 32 : index
        %parallel_loop3A_57 = tpu.vector_load %arg19[%parallel_loop3A_55, %parallel_loop3A_56] {strides = array<i32>} : memref<128x64xf32, #tpu.memory_space<vmem>>, vector<1x16xf32>,
        %parallel_loop3A_58 = vector.shape_cast %parallel_loop3A_57 : vector<1x16xf32> to vector<16xf32>
        %parallel_loop3A_59 = arith.mulf %parallel_loop3A_58, %parallel_loop3A_34 : vector<16xf32>
        %parallel_loop3A_60 = arith.index_cast %parallel_loop3A_30 : i32 to index
        %parallel_loop3A_61 = arith.constant 32 : index
        %parallel_loop3A_62 = tpu.vector_load %arg19[%parallel_loop3A_60, %parallel_loop3A_61] {strides = array<i32>} : memref<128x64xf32, #tpu.memory_space<vmem>>, vector<1x16xf32>,
        %parallel_loop3A_63 = vector.shape_cast %parallel_loop3A_62 : vector<1x16xf32> to vector<16xf32>
        %parallel_loop3A_64 = vector.shape_cast %parallel_loop3A_59 : vector<16xf32> to vector<1x16xf32>
        tpu.vector_store %arg19[%parallel_loop3A_60, %parallel_loop3A_61], %parallel_loop3A_64 {strides = array<i32>} : memref<128x64xf32, #tpu.memory_space<vmem>>, vector<1x16xf32>,
        %parallel_loop3A_65 = arith.index_cast %parallel_loop3A_30 : i32 to index
        %parallel_loop3A_66 = arith.constant 48 : index
        %parallel_loop3A_67 = tpu.vector_load %arg19[%parallel_loop3A_65, %parallel_loop3A_66] {strides = array<i32>} : memref<128x64xf32, #tpu.memory_space<vmem>>, vector<1x16xf32>,
        %parallel_loop3A_68 = vector.shape_cast %parallel_loop3A_67 : vector<1x16xf32> to vector<16xf32>
        %parallel_loop3A_69 = arith.mulf %parallel_loop3A_68, %parallel_loop3A_34 : vector<16xf32>
        %parallel_loop3A_70 = arith.index_cast %parallel_loop3A_30 : i32 to index
        %parallel_loop3A_71 = arith.constant 48 : index
        %parallel_loop3A_72 = tpu.vector_load %arg19[%parallel_loop3A_70, %parallel_loop3A_71] {strides = array<i32>} : memref<128x64xf32, #tpu.memory_space<vmem>>, vector<1x16xf32>,
        %parallel_loop3A_73 = vector.shape_cast %parallel_loop3A_72 : vector<1x16xf32> to vector<16xf32>
        %parallel_loop3A_74 = vector.shape_cast %parallel_loop3A_69 : vector<16xf32> to vector<1x16xf32>
        tpu.vector_store %arg19[%parallel_loop3A_70, %parallel_loop3A_71], %parallel_loop3A_74 {strides = array<i32>} : memref<128x64xf32, #tpu.memory_space<vmem>>, vector<1x16xf32>,
      } {sc.loop_unroll_factor = 8 : i64, sc.parallel_access}
      "tpu.region"() ({
        %run_scoped3A = tpu.sem_alloc : memref<!tpu.dma_semaphore, #tpu.memory_space<semaphore_mem>>
        %dma_start3A_30 = arith.constant 0 : i32
        %dma_start3A_31 = arith.constant 0 : i32
        %dma_start3A_32 = tpu.memref_slice %arg24[%dma_start3A_30, %dma_start3A_31] : memref<10112x64xf32, #tpu.memory_space<vmem_shared>> -> memref<10112x64xf32, #tpu.memory_space<vmem_shared>>
        tpu.enqueue_indirect_dma source(%arg19 : memref<128x64xf32, #tpu.memory_space<vmem>>) target(%dma_start3A_32 : memref<10112x64xf32, #tpu.memory_space<vmem_shared>>) offsets(%arg17 : memref<128xi32, #tpu.memory_space<vmem>>) semaphore(%run_scoped3A : memref<!tpu.dma_semaphore, #tpu.memory_space<semaphore_mem>>) {add = true}
        %dma_wait3A_33 = arith.constant 0 : i32
        %dma_wait3A_34 = arith.constant 0 : i32
        %dma_wait3A_35 = tpu.memref_slice %arg24[%dma_wait3A_33, %dma_wait3A_34] : memref<10112x64xf32, #tpu.memory_space<vmem_shared>> -> memref<10112x64xf32, #tpu.memory_space<vmem_shared>>
        tpu.wait_indirect_dma semaphore(%run_scoped3A : memref<!tpu.dma_semaphore, #tpu.memory_space<semaphore_mem>>) src(%arg19 : memref<128x64xf32, #tpu.memory_space<vmem>>) dst(%dma_wait3A_35 : memref<10112x64xf32, #tpu.memory_space<vmem_shared>>)
        tpu.yield
      }) : () -> ()
    }
    %scan3A_16 = arith.constant 100 : i32
    %barrier3A_17 = arith.constant 0 : index
    tpu.barrier barrier_id(%barrier3A_17)
    "tpu.region"() ({
      %run_scoped3A = tpu.sem_alloc : memref<!tpu.dma_semaphore, #tpu.memory_space<semaphore_mem>>
      %dma_start3A = arith.constant 0 : i32
      %dma_start3A_18 = tpu.memref_slice %arg24[%mul3A_0, %dma_start3A] : memref<10112x64xf32, #tpu.memory_space<vmem_shared>> -> memref<632x64xf32, #tpu.memory_space<vmem_shared>>
      %dma_start3A_19 = arith.constant 0 : i32
      %dma_start3A_20 = tpu.memref_slice %arg24[%mul3A_0, %dma_start3A_19] : memref<10112x64xf32, #tpu.memory_space<vmem_shared>> -> memref<632x64xf32, #tpu.memory_space<vmem_shared>>
      tpu.enqueue_dma source(%dma_start3A_20 : memref<632x64xf32, #tpu.memory_space<vmem_shared>>) target(%arg22 : memref<632x64xf32, #tpu.memory_space<vmem>>) target_semaphore(%run_scoped3A : memref<!tpu.dma_semaphore, #tpu.memory_space<semaphore_mem>>)
      %dma_wait3A = arith.constant 0 : i32
      %dma_wait3A_21 = tpu.memref_slice %arg24[%mul3A_0, %dma_wait3A] : memref<10112x64xf32, #tpu.memory_space<vmem_shared>> -> memref<632x64xf32, #tpu.memory_space<vmem_shared>>
      %dma_wait3A_22 = arith.constant 0 : i32
      %dma_wait3A_23 = tpu.memref_slice %arg24[%mul3A_0, %dma_wait3A_22] : memref<10112x64xf32, #tpu.memory_space<vmem_shared>> -> memref<632x64xf32, #tpu.memory_space<vmem_shared>>
      tpu.wait_dma2 semaphore(%run_scoped3A : memref<!tpu.dma_semaphore, #tpu.memory_space<semaphore_mem>>) src(%dma_wait3A_23 : memref<632x64xf32, #tpu.memory_space<vmem_shared>>) dst(%arg22 : memref<632x64xf32, #tpu.memory_space<vmem>>)
      tpu.yield
    }) : () -> ()
    "tpu.region"() ({
      %run_scoped3A = tpu.sem_alloc : memref<!tpu.dma_semaphore, #tpu.memory_space<semaphore_mem>>
      %dma_start3A = arith.constant 0 : i32
      %dma_start3A_18 = tpu.memref_slice %arg14[%arg0, %mul3A_0, %dma_start3A] : memref<2x10112x64xf32, #tpu.memory_space<hbm>> -> memref<1x632x64xf32, #tpu.memory_space<hbm>>
      %dma_start3A_19 = tpu.memref_squeeze %dma_start3A_18 : memref<1x632x64xf32, #tpu.memory_space<hbm>> -> memref<632x64xf32, #tpu.memory_space<hbm>>
      %dma_start3A_20 = arith.constant 0 : i32
      %dma_start3A_21 = tpu.memref_slice %arg14[%arg0, %mul3A_0, %dma_start3A_20] : memref<2x10112x64xf32, #tpu.memory_space<hbm>> -> memref<1x632x64xf32, #tpu.memory_space<hbm>>
      %dma_start3A_22 = tpu.memref_squeeze %dma_start3A_21 : memref<1x632x64xf32, #tpu.memory_space<hbm>> -> memref<632x64xf32, #tpu.memory_space<hbm>>
      tpu.enqueue_dma source(%arg22 : memref<632x64xf32, #tpu.memory_space<vmem>>) target(%dma_start3A_22 : memref<632x64xf32, #tpu.memory_space<hbm>>) target_semaphore(%run_scoped3A : memref<!tpu.dma_semaphore, #tpu.memory_space<semaphore_mem>>)
      %dma_wait3A = arith.constant 0 : i32
      %dma_wait3A_23 = tpu.memref_slice %arg14[%arg0, %mul3A_0, %dma_wait3A] : memref<2x10112x64xf32, #tpu.memory_space<hbm>> -> memref<1x632x64xf32, #tpu.memory_space<hbm>>
      %dma_wait3A_24 = tpu.memref_squeeze %dma_wait3A_23 : memref<1x632x64xf32, #tpu.memory_space<hbm>> -> memref<632x64xf32, #tpu.memory_space<hbm>>
      %dma_wait3A_25 = arith.constant 0 : i32
      %dma_wait3A_26 = tpu.memref_slice %arg14[%arg0, %mul3A_0, %dma_wait3A_25] : memref<2x10112x64xf32, #tpu.memory_space<hbm>> -> memref<1x632x64xf32, #tpu.memory_space<hbm>>
      %dma_wait3A_27 = tpu.memref_squeeze %dma_wait3A_26 : memref<1x632x64xf32, #tpu.memory_space<hbm>> -> memref<632x64xf32, #tpu.memory_space<hbm>>
      tpu.wait_dma2 semaphore(%run_scoped3A : memref<!tpu.dma_semaphore, #tpu.memory_space<semaphore_mem>>) src(%arg22 : memref<632x64xf32, #tpu.memory_space<vmem>>) dst(%dma_wait3A_27 : memref<632x64xf32, #tpu.memory_space<hbm>>)
      tpu.yield
    }) : () -> ()
    return
  }
}

module attributes {stable_mosaic.version = 14 : i64} {
  func.func @_tc_body(%arg0: i32, %arg1: memref<1000x128xf32, #tpu.memory_space<vmem>>, %arg2: memref<8x128xf32, #tpu.memory_space<vmem>>, %arg3: memref<8x8xf32, #tpu.memory_space<vmem>>, %arg4: memref<8x128xf32, #tpu.memory_space<vmem>>, %arg5: memref<1000x128xf32, #tpu.memory_space<vmem>>, %arg6: memref<1000x128xf32, #tpu.memory_space<vmem>>) attributes {dimension_semantics = [#tpu.dimension_semantics<arbitrary>], iteration_bounds = array<i64: 10>, scalar_prefetch = 0 : i64, scratch_operands = 0 : i64, tpu.core_type = #tpu.core_type<tc>, window_params = [{transform_indices = @transform_0, window_bounds = array<i64: 1000, 128>}, {pipeline_mode = #tpu.pipeline_mode<synchronous>, transform_indices = @transform_1, window_bounds = array<i64: 8, 128>}, {pipeline_mode = #tpu.pipeline_mode<synchronous>, transform_indices = @transform_2, window_bounds = array<i64: 8, 8>}, {pipeline_mode = #tpu.pipeline_mode<synchronous>, transform_indices = @transform_3, window_bounds = array<i64: 8, 128>}, {transform_indices = @transform_4, window_bounds = array<i64: 1000, 128>}, {transform_indices = @transform_5, window_bounds = array<i64: 1000, 128>}]} {
    %get3A = arith.constant 0 : index
    %get3A_0 = arith.constant 0 : index
    %get3A_1 = vector.load %arg3[%get3A, %get3A_0] : memref<8x8xf32, #tpu.memory_space<vmem>>, vector<8x8xf32>
    %reduce_max3A = arith.constant dense<0xFF800000> : vector<8xf32>
    %reduce_max3A_2 = vector.multi_reduction <maximumf>, %get3A_1, %reduce_max3A [1] : vector<8x8xf32> to vector<8xf32>
    %broadcast_in_dim3A = vector.shape_cast %reduce_max3A_2 : vector<8xf32> to vector<8x1xf32>
    %sub3A = vector.broadcast %broadcast_in_dim3A : vector<8x1xf32> to vector<8x8xf32>
    %sub3A_3 = arith.subf %get3A_1, %sub3A : vector<8x8xf32>
    %exp3A = math.exp %sub3A_3 : vector<8x8xf32>
    %reduce_sum3A = arith.constant dense<0.000000e+00> : vector<8xf32>
    %reduce_sum3A_4 = vector.multi_reduction <add>, %exp3A, %reduce_sum3A [1] : vector<8x8xf32> to vector<8xf32>
    %broadcast_in_dim3A_5 = vector.shape_cast %reduce_sum3A_4 : vector<8xf32> to vector<8x1xf32>
    %div3A = vector.broadcast %broadcast_in_dim3A_5 : vector<8x1xf32> to vector<8x8xf32>
    %div3A_6 = arith.divf %exp3A, %div3A : vector<8x8xf32>
    %get3A_7 = arith.constant 0 : index
    %get3A_8 = arith.constant 0 : index
    %get3A_9 = vector.load %arg4[%get3A_7, %get3A_8] : memref<8x128xf32, #tpu.memory_space<vmem>>, vector<8x128xf32>
    %dot_general3A = arith.constant dense<0.000000e+00> : vector<8x128xf32>
    %dot_general3A_10 = tpu.matmul %div3A_6, %get3A_9, %dot_general3A {dimension_numbers = #tpu.dot_dimension_numbers<[1], [0], [0], [1], [0, 0, 1, 1], [], []>, transpose_lhs_hint = false} : vector<8x8xf32>, vector<8x128xf32>, vector<8x128xf32> -> vector<8x128xf32>
    %get3A_11 = arith.constant 0 : index
    %get3A_12 = arith.constant 0 : index
    %get3A_13 = vector.load %arg1[%get3A_11, %get3A_12] : memref<1000x128xf32, #tpu.memory_space<vmem>>, vector<1000x128xf32>
    %get3A_14 = arith.constant 0 : index
    %get3A_15 = arith.constant 0 : index
    %get3A_16 = vector.load %arg2[%get3A_14, %get3A_15] : memref<8x128xf32, #tpu.memory_space<vmem>>, vector<8x128xf32>
    %dot_general3A_17 = arith.constant dense<0.000000e+00> : vector<1000x8xf32>
    %dot_general3A_18 = tpu.matmul %get3A_13, %get3A_16, %dot_general3A_17 {dimension_numbers = #tpu.dot_dimension_numbers<[1], [1], [0], [0], [0, 0, 1, 0], [], []>, transpose_lhs_hint = false} : vector<1000x128xf32>, vector<8x128xf32>, vector<1000x8xf32> -> vector<1000x8xf32>
    %iota3A = tpu.iota {dimensions = array<i32: 1>} : vector<1x8xi32>
    %ge3A = arith.constant 4 : i32
    %ge3A_19 = vector.broadcast %ge3A : i32 to vector<1x8xi32>
    %ge3A_20 = arith.cmpi sge, %iota3A, %ge3A_19 : vector<1x8xi32>
    %jit3A = arith.constant -1.000000e+30 : f32
    %jit3A_21 = arith.constant 0.000000e+00 : f32
    %broadcast_in_dim3A_22 = vector.broadcast %jit3A : f32 to vector<1x8xf32>
    %broadcast_in_dim3A_23 = vector.broadcast %jit3A_21 : f32 to vector<1x8xf32>
    %select_n3A = arith.select %ge3A_20, %broadcast_in_dim3A_22, %broadcast_in_dim3A_23 : vector<1x8xi1>, vector<1x8xf32>
    %add3A = vector.broadcast %select_n3A : vector<1x8xf32> to vector<1000x8xf32>
    %add3A_24 = arith.addf %dot_general3A_18, %add3A : vector<1000x8xf32>
    %reduce_max3A_25 = arith.constant dense<0xFF800000> : vector<1000xf32>
    %reduce_max3A_26 = vector.multi_reduction <maximumf>, %add3A_24, %reduce_max3A_25 [1] : vector<1000x8xf32> to vector<1000xf32>
    %broadcast_in_dim3A_27 = vector.shape_cast %reduce_max3A_26 : vector<1000xf32> to vector<1000x1xf32>
    %sub3A_28 = vector.broadcast %broadcast_in_dim3A_27 : vector<1000x1xf32> to vector<1000x8xf32>
    %sub3A_29 = arith.subf %add3A_24, %sub3A_28 : vector<1000x8xf32>
    %exp3A_30 = math.exp %sub3A_29 : vector<1000x8xf32>
    %reduce_sum3A_31 = arith.constant dense<0.000000e+00> : vector<1000xf32>
    %reduce_sum3A_32 = vector.multi_reduction <add>, %exp3A_30, %reduce_sum3A_31 [1] : vector<1000x8xf32> to vector<1000xf32>
    %broadcast_in_dim3A_33 = vector.shape_cast %reduce_sum3A_32 : vector<1000xf32> to vector<1000x1xf32>
    %div3A_34 = vector.broadcast %broadcast_in_dim3A_33 : vector<1000x1xf32> to vector<1000x8xf32>
    %div3A_35 = arith.divf %exp3A_30, %div3A_34 : vector<1000x8xf32>
    %dot_general3A_36 = arith.constant dense<0.000000e+00> : vector<1000x128xf32>
    %dot_general3A_37 = tpu.matmul %div3A_35, %dot_general3A_10, %dot_general3A_36 {dimension_numbers = #tpu.dot_dimension_numbers<[1], [0], [0], [1], [0, 0, 1, 1], [], []>, transpose_lhs_hint = false} : vector<1000x8xf32>, vector<8x128xf32>, vector<1000x128xf32> -> vector<1000x128xf32>
    %add3A_38 = arith.constant 1.000000e+00 : f32
    %add3A_39 = vector.broadcast %add3A_38 : f32 to vector<1000x128xf32>
    %add3A_40 = arith.addf %add3A_39, %dot_general3A_37 : vector<1000x128xf32>
    %get3A_41 = arith.constant 0 : index
    %get3A_42 = arith.constant 0 : index
    %get3A_43 = vector.load %arg5[%get3A_41, %get3A_42] : memref<1000x128xf32, #tpu.memory_space<vmem>>, vector<1000x128xf32>
    %mul3A = arith.mulf %get3A_43, %add3A_40 : vector<1000x128xf32>
    %swap3A = arith.constant 0 : index
    %swap3A_44 = arith.constant 0 : index
    %swap3A_45 = vector.load %arg6[%swap3A, %swap3A_44] : memref<1000x128xf32, #tpu.memory_space<vmem>>, vector<1000x128xf32>
    tpu.vector_store %arg6[%swap3A, %swap3A_44], %mul3A {strides = array<i32>} : memref<1000x128xf32, #tpu.memory_space<vmem>>, vector<1000x128xf32>,
    return
  }
  func.func @transform_0(%arg0: i32) -> (i32, i32) {
    %c0_i32 = arith.constant 0 : i32
    %c0_i32_0 = arith.constant 0 : i32
    return %arg0, %c0_i32 : i32, i32
  }
  func.func @transform_1(%arg0: i32) -> (i32, i32) {
    %c0_i32 = arith.constant 0 : i32
    %c0_i32_0 = arith.constant 0 : i32
    %c0_i32_1 = arith.constant 0 : i32
    return %c0_i32, %c0_i32_0 : i32, i32
  }
  func.func @transform_2(%arg0: i32) -> (i32, i32) {
    %c0_i32 = arith.constant 0 : i32
    %c0_i32_0 = arith.constant 0 : i32
    %c0_i32_1 = arith.constant 0 : i32
    return %c0_i32, %c0_i32_0 : i32, i32
  }
  func.func @transform_3(%arg0: i32) -> (i32, i32) {
    %c0_i32 = arith.constant 0 : i32
    %c0_i32_0 = arith.constant 0 : i32
    %c0_i32_1 = arith.constant 0 : i32
    return %c0_i32, %c0_i32_0 : i32, i32
  }
  func.func @transform_4(%arg0: i32) -> (i32, i32) {
    %c0_i32 = arith.constant 0 : i32
    %c0_i32_0 = arith.constant 0 : i32
    return %arg0, %c0_i32 : i32, i32
  }
  func.func @transform_5(%arg0: i32) -> (i32, i32) {
    %c0_i32 = arith.constant 0 : i32
    %c0_i32_0 = arith.constant 0 : i32
    return %arg0, %c0_i32 : i32, i32
  }
}

</mosaic_0001>

<sc_bundles>
// kernel: kernel.4.cloned.1.call-start
scs
__scs_entry_jumppad:
0x0: {  	(pc) =	sbr.rel $0x88, $3  }
0x1: {  	(tag) =	ssettag $0x0;
	lr =	simm.s32 $0x1  }
0x2: {  	[smem:$0x3F97] =	sst lr;
	_ =	strace $0xD0000000  }
0x3: {  	_ = 	snop  }
0x4: {  	_ = 	snop  }
0x5: {  	_ = 	snop  }
0x6: {  	_ = 	snop  }
0x7: {  	_ = 	snop  }
__scs_overlays_trampoline_lowered:
0x8: {  	[smem:$0x3FA6] =	sst s0  }
0x9: {  	[smem:$0x3FA7] =	sst s1  }
0xa: {  	[smem:$0x3FA8] =	sst s2  }
0xb: {  	[smem:$0x3FA9] =	sst s3  }
0xc: {  	[smem:$0x3FAA] =	sst s4  }
0xd: {  	[smem:$0x3FAB] =	sst s5  }
0xe: {  	[smem:$0x3FAC] =	sst s6  }
0xf: {  	[smem:$0x3FAD] =	sst s7  }
0x10: {  	[smem:$0x3FAE] =	sst s8  }
0x11: {  	[smem:$0x3FAF] =	sst s9;
	s0 =	simm.s32 @!p0 $0x0  }
0x12: {  	s1 =	sld [smem:$0x3F95];
	s0 =	simm.s32 @p0 $0x1  }
0x13: {  	[smem:$0x3FB0] =	sst s0;
	s0 =	simm.s32 @!p1 $0x0  }
0x14: {  	s2 =	sld [smem:$0x3F94];
	s0 =	simm.s32 @p1 $0x1  }
0x15: {  	[smem:$0x3FB1] =	sst s0;
	s0 =	simm.s32 @!p2 $0x0  }
0x16: {  	s3 =	sld [smem:$0x3FDB];
	s0 =	simm.s32 @p2 $0x1  }
0x17: {  	s4 =	simm.s32 $0x1BF5;
	[smem:$0x3FB3] =	sst s0  }
0x18: {  	s0 =	sld [smem:$0x3F96];
	_ =	swait.ge [sflag:s4], $0x0  }
0x19: {  	s7 =	sld [smem:$0x3F97]  }
0x1a: {  	s8 =	sadd.s32 $0xFFFFE003, lr  }
0x1b: {  	s9 =	sadd.s32 $0xFFFFFEF7, lr;
	s5 =	simm.s32 $0xFFFFFFFF;
	p2 =	slt.u32 s8, $0xFFFFF086  }
0x1c: {  	p1 =	slt.u32 s9, $0xF7A;
	s5 =	simm.s32 @!p2 $0x0  }
0x1d: {  	s5 =	simm.s32 @p1 $0x1;
	p0 =	seq.s32 s7, s2  }
0x1e: {  	s7 =	smul.u32 @!p0 $0xF7A, s2;
	p2 =	seq.s32 @!p0 s5, $0x0  }
0x1f: {  	s9 =	smul.u32 $0xF7A, s1;
	s8 =	simm.s32 @!p0 $0x1BF5;
	p2 =	por !p2, p0  }
0x20: {  	[sflag:s8] =	ssyncset.s32 @!p0 $0xFFFFF086;
	s6 =	sadd.s32 @!p0 s3, s7;
	s7 =	simm.s32 @!p0 $0x108  }
0x21: {  	s3 =	sadd.s32 s3, s9;
	s6 =	sadd.s32 @!p0 $0x88, s6;
	s7 =	simm.s32 @p2 $0x1082  }
0x22: {  	[simem:s7], [sflag:s8] =	dma.local @!p0 [hbm:s6], $0xF7A  }
0x23: {  	s9 =	sor.u32 $0xD0000000, s2;
	s6 =	simm.s32 $0x108;
	_ =	swait.ge @!p0 [sflag:s8], $0x0  }
0x24: {  	s3 =	sadd.s32 $0x88, s3;
	s6 =	simm.s32 @!p1 $0x1082;
	[sflag:s4] =	ssyncset.s32 $0xFFFFF086  }
0x25: {  	[simem:s6], [sflag:s4] =	dma.local [hbm:s3], $0xF7A  }
0x26: {  	[smem:$0x3F97] =	sst s1;
	(tag) =	ssettag s2;
	_ =	strace s9  }
0x27: {  	s1 =	sld [smem:$0x3FA7]  }
0x28: {  	s2 =	sld [smem:$0x3FA8]  }
0x29: {  	s4 =	sld [smem:$0x3FAA]  }
0x2a: {  	p0 =	seq.s32 s5, $0x0;
	s5 =	sld [smem:$0x3FAB]  }
0x2b: {  	s6 =	sld [smem:$0x3FAC]  }
0x2c: {  	s7 =	sld [smem:$0x3FAD]  }
0x2d: {  	s3 =	simm.s32 $0x108;
	s8 =	sld [smem:$0x3FAE]  }
0x2e: {  	s3 =	simm.s32 @!p0 $0x1082;
	s9 =	sld [smem:$0x3FAF]  }
0x2f: {  	lr =	sadd.s32 s0, s3;
	s0 =	sld [smem:$0x3FA6]  }
0x30: {  	s3 =	sld [smem:$0x3FA9]  }
0x31: {  	[smem:$0x3FB2] =	sst s10  }
0x32: {  	s10 =	sld [smem:$0x3FB0];
	_ =	sdelay $0x3  }
0x33: {  	p0 =	seq.s32 s10, $0x1;
	s10 =	sld [smem:$0x3FB2];
	_ =	sdelay $0x3  }
0x34: {  	[smem:$0x3FB2] =	sst s10  }
0x35: {  	s10 =	sld [smem:$0x3FB1];
	_ =	sdelay $0x3  }
0x36: {  	p1 =	seq.s32 s10, $0x1;
	s10 =	sld [smem:$0x3FB2];
	_ =	sdelay $0x3  }
0x37: {  	[smem:$0x3FB2] =	sst s10  }
0x38: {  	s10 =	sld [smem:$0x3FB3]  }
0x39: {  	_ = 	snop;
	(pc) =	sbr.ind lr, $3  }
0x3a: {  	_ = 	snop  }
0x3b: {  	_ = 	snop  }
0x3c: {  	p2 =	seq.s32 s10, $0x1;
	s10 =	sld [smem:$0x3FB2]  }
0x3d: {  	_ =	shalt  }
0x3e: {  	_ =	shalt  }
0x3f: {  	_ =	shalt  }
0x40: {  	_ =	shalt  }
0x41: {  	_ =	shalt  }
0x42: {  	_ =	shalt  }
0x43: {  	_ =	shalt  }
0x44: {  	_ =	shalt  }
0x45: {  	_ =	shalt  }
0x46: {  	_ =	shalt  }
0x47: {  	_ =	shalt  }
0x48: {  	_ =	shalt  }
0x49: {  	_ =	shalt  }
0x4a: {  	_ =	shalt  }
0x4b: {  	_ =	shalt  }
0x4c: {  	_ =	shalt  }
0x4d: {  	_ =	shalt  }
0x4e: {  	_ =	shalt  }
0x4f: {  	_ =	shalt  }
0x50: {  	_ =	shalt  }
0x51: {  	_ =	shalt  }
0x52: {  	_ =	shalt  }
0x53: {  	_ =	shalt  }
0x54: {  	_ =	shalt  }
0x55: {  	_ =	shalt  }
0x56: {  	_ =	shalt  }
0x57: {  	_ =	shalt  }
0x58: {  	_ =	shalt  }
0x59: {  	_ =	shalt  }
0x5a: {  	_ =	shalt  }
0x5b: {  	_ =	shalt  }
0x5c: {  	_ =	shalt  }
0x5d: {  	_ =	shalt  }
0x5e: {  	_ =	shalt  }
0x5f: {  	_ =	shalt  }
0x60: {  	_ =	shalt  }
0x61: {  	_ =	shalt  }
0x62: {  	_ =	shalt  }
0x63: {  	_ =	shalt  }
0x64: {  	_ =	shalt  }
0x65: {  	_ =	shalt  }
0x66: {  	_ =	shalt  }
0x67: {  	_ =	shalt  }
0x68: {  	_ =	shalt  }
0x69: {  	_ =	shalt  }
0x6a: {  	_ =	shalt  }
0x6b: {  	_ =	shalt  }
0x6c: {  	_ =	shalt  }
0x6d: {  	_ =	shalt  }
0x6e: {  	_ =	shalt  }
0x6f: {  	_ =	shalt  }
0x70: {  	_ =	shalt  }
0x71: {  	_ =	shalt  }
0x72: {  	_ =	shalt  }
0x73: {  	_ =	shalt  }
0x74: {  	_ =	shalt  }
0x75: {  	_ =	shalt  }
0x76: {  	_ =	shalt  }
0x77: {  	_ =	shalt  }
0x78: {  	_ =	shalt  }
0x79: {  	_ =	shalt  }
0x7a: {  	_ =	shalt  }
0x7b: {  	_ =	shalt  }
0x7c: {  	_ =	shalt  }
0x7d: {  	_ =	shalt  }
0x7e: {  	_ =	shalt  }
0x7f: {  	_ =	shalt  }
0x80: {  	_ =	shalt  }
0x81: {  	_ =	shalt  }
0x82: {  	_ =	shalt  }
0x83: {  	_ =	shalt  }
0x84: {  	_ =	shalt  }
0x85: {  	_ =	shalt  }
0x86: {  	_ =	shalt  }
0x87: {  	_ =	shalt  }
.Lfunc_end0:
.L_simem_size_0:
called_computation_lowered:
.L_overlay_start_0:
0x88: {  	s2 =	sld [smem:$0x3FD9]  }
0x89: {  	s3 =	sld [smem:$0x3FFE];
	_ =	sdelay $0x1  }
0x8a: {  	s1 =	srdreg.scid  }
0x8b: {  	s0 =	sand.u32 $0x1, s1  }
0x8c: {  	s14 =	sshll.u32 s0, $0xA;
	s2 =	sadd.s32 s3, s2  }
0x8d: {  	s2 =	sadd.s32 s2, s14  }
0x8e: {  	[smem:$0x3FBE] =	sst s2  }
0x8f: {  	_ = 	snop  }
0x90: {  	s2 =	sld [smem:$0x3FD0];
	_ =	sdelay $0x2  }
0x91: {  	s15 =	simm.s32 $0xA;
	s4 =	simm.s32 $0x10  }
0x92: {  	[smem:s4], [sflag:s15] =	dma.local [hbm:s2], $0x1  }
0x93: {  	_ =	swait.eq [sflag:s15], $0x1  }
0x94: {  	[sflag:s15] =	ssyncset.done $0x0  }
0x95: {  	s16 =	sld [smem:$0x10];
	[sflag:s15] =	ssyncadd.s32 $0xFFFFFFFF  }
0x96: {  	s17 =	sld [smem:$0x11];
	(tm) =	ssettm $0x1  }
0x97: {  	s18 =	sld [smem:$0x3FFB];
	_ =	sdelay $0x3  }
0x98: {  	_ =	strace s18  }
0x99: {  	s4 =	sld [smem:$0x3FFC];
	_ =	sdelay $0x3  }
0x9a: {  	_ =	strace s4  }
0x9b: {  	s4 =	sld [smem:$0x3FFD];
	_ =	sdelay $0x3  }
0x9c: {  	_ =	strace s4  }
0x9d: {  	_ =	strace $0x8FFFFFFF  }
0x9e: {  	s19 =	sld [smem:$0x3FDB];
	_ =	sdelay $0x1  }
0x9f: {  	s5 =	simm.s32 $_scs_section_size  }
0xa0: {  	s6 =	simm.s32 $_size__tile_overlayer_lowered;
	s7 =	simm.s32 $_tile_overlayer_lowered  }
0xa1: {  	s22 =	simm.s32 $0x1BFF;
	s21 =	sshll.u32 s7, $0x1;
	s4 =	sadd.s32 s5, s19  }
0xa2: {  	s8 =	simm.s32 $0x0;
	s20 =	sshll.u32 s6, $0x1;
	s6 =	sadd.s32 s21, s4  }
0xa3: {  	[timem:s8], [sflag:s22] =	dma.local [hbm:s6], s20  }
0xa4: {  	_ =	swait.ge [sflag:s22], s20  }
0xa5: {  	s5 =	ssub.s32 $0x0, s20;
	[sflag:s22] =	ssyncset.done $0x0  }
0xa6: {  	[sflag:s22] =	ssyncadd.s32 s5;
	_ =	sdelay $0x1  }
0xa7: {  	s23 =	simm.s32 $0x1B8B  }
0xa8: {  	_ =	swait.ge [sflag:s23], $0x1  }
0xa9: {  	[sflag:s23] =	ssyncset.done $0x0  }
0xaa: {  	s25 =	simm.s32 $0x1B8E;
	s24 =	sld [smem:$0x3FFE];
	[sflag:s23] =	ssyncadd.s32 $0xFFFFFFFF  }
0xab: {  	s26 =	simm.s32 $execute0_lowered;
	[smem:$0x3FD2] =	sst s25  }
0xac: {  	s6 =	sshll.u32 s26, $0x1;
	_ =	strace $0x80000046;
	[dreg:$0x1] =	wrdreg $0xFFFFFFFF  }
0xad: {  	s28 =	simm.s32 $_size_execute0_lowered;
	s4 =	sadd.s32 s4, s6;
	[dreg:$0x0] =	wrdreg $0x0  }
0xae: {  	s6 =	sshll.u32 s28, $0x1;
	[dreg:$0x2] =	wrdreg s4  }
0xaf: {  	[dreg:$0x3] =	wrdreg s6  }
0xb0: {  	[dreg:$0x4] =	wrdreg $0xC0  }
0xb1: {  	_ =	task [dreg:s8], $0x5FFFF  }
0xb2: {  	[dreg:$0x1] =	wrdreg $0xFFFFFFFF  }
0xb3: {  	[dreg:$0x0] =	wrdreg $0x60  }
0xb4: {  	[dreg:$0x2] =	wrdreg s17  }
0xb5: {  	[dreg:$0x3] =	wrdreg s24  }
0xb6: {  	[dreg:$0x4] =	wrdreg s16  }
0xb7: {  	[dreg:$0x5] =	wrdreg $0x117000  }
0xb8: {  	[dreg:$0x6] =	wrdreg $0x1B5000  }
0xb9: {  	[dreg:$0x7] =	wrdreg $0x9  }
0xba: {  	_ =	task.clear_ibuf [dreg:s8], $0x8FFFF;
	_ =	strace $0x90000046  }
0xbb: {  	s29 =	simm.s32 $0x9;
	_ =	strace $0x80000048  }
0xbc: {  	_ =	swait.ge [sflag:s29], $0x1  }
0xbd: {  	[sflag:s29] =	ssyncadd.s32 $0xFFFFFFFF  }
0xbe: {  	_ =	strace $0x90000048  }
0xbf: {  	_ =	sfence  }
0xc0: {  	s30 =	sld [smem:$0x0];
	_ =	sdelay $0x2  }
0xc1: {  	s31 =	sshll.u32 s1, $0xD;
	s1 =	sshrl.u32 s1, $0x2  }
0xc2: {  	s3 =	sand.u32 $0x4000, s31;
	s1 =	sadd.s32 s1, s30  }
0xc3: {  	s0 =	sor.u32 s3, s0;
	s1 =	sshll.u32 s1, $0x11  }
0xc4: {  	s0 =	sor.u32 s1, s0  }
0xc5: {  	s0 =	sadd.s32 $0x8F2B, s0  }
0xc6: {  	[sflag:s0] =	ssyncadd.remote.s32 $0x1  }
0xc7: {  	_ =	sfence.sel $0xFFFF  }
0xc8: {  	[dreg:$0x0] =	wrdreg $0xFFFFFFFF;
	(pc) =	sbr.abs _section_cstart, $3  }
0xc9: {  	[dreg:$0x1] =	wrdreg $0xFFFFFFFF  }
0xca: {  	_ =	task.clear_ibuf [dreg:s8], $0x2FFFF;
	_ =	strace $0x9FFFFFFF  }
0xcb: {  	(tm) =	ssettm $0x7FFFFFFF  }
tec
execute0_lowered:
.L_overlay_start_1:
0x0: {  	(tag) =	ssettag $0x1  }
0x1: {  	s1 =	rddreg [dreg:$0x0]  }
0x2: {  	s0 =	rddreg [dreg:$0x1]  }
0x3: {  	s2 =	rddreg [dreg:$0x2]  }
0x4: {  	s3 =	rddreg [dreg:$0x3]  }
0x5: {  	s4 =	rddreg [dreg:$0x4]  }
0x6: {  	s6 =	simm.s32 $0x0;
	s5 =	srdreg.scid;
	s16 =	stileid.u32  }
0x7: {  	s28 =	simm.s32 $0x4980;
	s29 =	simm.s32 $0x80;
	s30 =	simm.s32 $0x100  }
0x8: {  	s31 =	simm.s32 $0x980;
	[smem:$0x7FF] =	sst s6;
	s5 =	sand.u32 $0x1, s5  }
0x9: {  	s13 =	smul.u32 $0x9E00, s16;
	s7 =	sadd.s32 $0x1E00, s0;
	s8 =	sadd.s32 $0x2000, s0  }
0xa: {  	s9 =	sadd.s32 $0x22800, s0;
	s10 =	sadd.s32 $0x16000, s0;
	s11 =	sadd.s32 $0x342800, s0  }
0xb: {  	s12 =	sadd.s32 $0x2C800, s0;
	s25 =	sadd.s32 $0x32C00, s0;
	s15 =	sadd.s32 $0x34000, s0  }
0xc: {  	s17 =	sadd.s32 $0x34600, s0;
	s23 =	sshll.u32 s16, $0x6;
	s14 =	smul.u32 $0x9E000, s5  }
0xd: {  	_ =	strace $0x80000047;
	[dreg:$0x7] =	wrdreg s17;
	s17 =	smul.u32 $0xA0, s16  }
0xe: {  	[dreg:$0x6] =	wrdreg s15;
	s21 =	ssub.s32 $0x2, s5;
	s18 =	smul.u32 $0x50000, s5  }
0xf: {  	s15 =	sor.u32 $0x1C02, s23;
	s23 =	smul.u32 $0x32000, s5;
	s5 =	simm.s32 $0x2980  }
0x10: {  	[dreg:$0x8] =	wrdreg s25;
	s19 =	sadd.s32 s13, s3;
	s14 =	sadd.s32 s13, s14  }
0x11: {  	[dreg:$0x9] =	wrdreg s15;
	s13 =	sshrl.u32 s13, $0x2;
	s14 =	sshrl.u32 s14, $0x3  }
0x12: {  	[dreg:$0xe] =	wrdreg s19;
	s13 =	sadd.s32 s13, s4;
	s0 =	sadd.s32 s14, s0  }
0x13: {  	s22 =	sshrl.u32 s21, $0x1;
	[dreg:$0xa] =	wrdreg s13;
	s24 =	sadd.s32 $0x34800, s0  }
0x14: {  	s14 =	ssub.s32 s21, s22;
	s0 =	sadd.s32 $0x5C000, s0;
	[dreg:$0xb] =	wrdreg s24  }
0x15: {  	s15 =	simm.s32 $0x180;
	s26 =	smax.u32 s14, $0x1;
	[dreg:$0xc] =	wrdreg s0  }
0x16: {  	s21 =	smul.u32 $0x64, s16;
	s22 =	simm.s32 $0x0;
	[dreg:$0xd] =	wrdreg s26  }
0x17: {  	s26 =	simm.s32 $0x2;
	s0 =	simm.s32 $0x1;
	s24 =	simm.s32 $0x5180  }
.LBB2_1:
0x18: {  	s19 =	sshrl.u32 s19, $0x3;
	s16 =	rddreg [dreg:$0x9]  }
0x19: {  	[spmem:s19], [sflag:s16] =	dma.local [hbm:s25], $0x13C0  }
0x1a: {  	_ =	swait.ge [sflag:s26], $0x13C0  }
0x1b: {  	[sflag:s26] =	ssyncset.done $0x0;
	s13 =	rddreg [dreg:$0xa]  }
0x1c: {  	s14 =	rddreg [dreg:$0x6];
	[sflag:s26] =	ssyncadd.s32 $0xFFFFEC40;
	s13 =	sshrl.u32 s13, $0x3  }
0x1d: {  	[spmem:s13], [sflag:s16] =	dma.local [hbm:s14], $0x4F0  }
0x1e: {  	_ =	swait.ge [sflag:s26], $0x4F0  }
0x1f: {  	[sflag:s26] =	ssyncset.done $0x0  }
0x20: {  	s25 =	rddreg [dreg:$0x7];
	[sflag:s26] =	ssyncadd.s32 $0xFFFFFB10  }
0x21: {  	[tilespmem:s28], [sflag:$0x2] =	stream.linear.gather [hbm4b:s25+s6], $0x800, $0x38;
	[tilespmem:$0x1DC80] =	vst v63  }
0x22: {  	_ =	swait.ge [sflag:s26], $0x800  }
0x23: {  	[sflag:s26] =	ssyncset.done $0x0  }
0x24: {  	[sflag:s26] =	ssyncadd.s32 $0xFFFFF800  }
0x25: {  	s25 =	simm.s32 $0x0;
	[bflag:$0x0] =	sbarrier.arrive $0xFFFF  }
.LBB2_2:
0x26: {  	s13 =	sadd.s32 s17, s25  }
0x27: {  	s14 =	sshll.u32 s13, $0x7  }
0x28: {  	s14 =	sadd.s32 s18, s14  }
0x29: {  	s14 =	sshrl.u32 s14, $0x3  }
0x2a: {  	s16 =	sadd.s32 s2, s14  }
0x2b: {  	[tilespmem:s6], [sflag:$0x2] =	stream.linear.gather [hbm4b:s16+s6], $0x80, $0x38;
	[tilespmem:$0x1DC80] =	vst v63  }
0x2c: {  	_ =	swait.ge [sflag:s26], $0x80  }
0x2d: {  	[sflag:s26] =	ssyncset.done $0x0  }
0x2e: {  	s14 =	sadd.s32 s8, s14;
	[sflag:s26] =	ssyncadd.s32 $0xFFFFFF80  }
0x2f: {  	[tilespmem:s29], [sflag:$0x2] =	stream.linear.gather [hbm4b:s14+s6], $0x80, $0x38;
	[tilespmem:$0x1DC80] =	vst v63  }
0x30: {  	_ =	swait.ge [sflag:s26], $0x80  }
0x31: {  	s13 =	sshll.u32 s13, $0x4;
	[sflag:s26] =	ssyncset.done $0x0  }
0x32: {  	s13 =	sadd.s32 s9, s13;
	[sflag:s26] =	ssyncadd.s32 $0xFFFFFF80  }
0x33: {  	[tilespmem:s30], [sflag:$0x2] =	stream.linear.gather [hbm4b:s13+s6], $0x80, $0x38;
	[tilespmem:$0x1DC80] =	vst v63  }
0x34: {  	_ =	swait.ge [sflag:s26], $0x80  }
0x35: {  	[sflag:s26] =	ssyncset.done $0x0  }
0x36: {  	[sflag:s26] =	ssyncadd.s32 $0xFFFFFF80  }
0x37: {  	[tilespmem:s31], [sflag:$0x1] =	stream.indirect.gather [hbm4b:s1+s29], $0x40, s6, s29, $0xb8;
	[tilespmem:$0x1DC80] =	vst v63  }
0x38: {  	_ =	swait.ge [sflag:s0], $0x2000  }
0x39: {  	[sflag:s0] =	ssyncset.done $0x0  }
0x3a: {  	[sflag:s0] =	ssyncadd.s32 $0xFFFFE000  }
0x3b: {  	[tilespmem:s5], [sflag:$0x1] =	stream.indirect.gather [hbm4b:s7+s29], $0x40, s29, s29, $0xb8;
	[tilespmem:$0x1DC80] =	vst v63  }
0x3c: {  	_ =	swait.ge [sflag:s0], $0x2000  }
0x3d: {  	[sflag:s0] =	ssyncset.done $0x0  }
0x3e: {  	s13 =	simm.s32 $0xA80;
	[sflag:s0] =	ssyncadd.s32 $0xFFFFE000  }
0x3f: {  	s20 =	simm.s32 $0x2A80;
	v0 =	vld [tilespmem:s13+$0xC0]  }
0x40: {  	v1 =	vld [tilespmem:s20+$0xC0]  }
0x41: {  	v2 =	vld [tilespmem:s20+$0xFFFFFF00]  }
0x42: {  	v3 =	vld [tilespmem:s13+$0xFFFFFF40]  }
0x43: {  	v4 =	vld [tilespmem:s13+$0xFFFFFF80]  }
0x44: {  	v6 =	vld [tilespmem:s20+$0xFFFFFF80]  }
0x45: {  	v7 =	vld [tilespmem:s13+$0xFFFFFFC0]  }
0x46: {  	v8 =	vld [tilespmem:s20+$0xFFFFFFC0]  }
0x47: {  	v9 =	vld [tilespmem:s13+$0x0]  }
0x48: {  	v10 =	vld [tilespmem:s20+$0x0]  }
0x49: {  	v11 =	vld [tilespmem:s20+$0x40]  }
0x4a: {  	v60 =	vld [tilespmem:s13+$0xFFFFFFD0]  }
0x4b: {  	v13 =	vld [tilespmem:s13+$0x10]  }
0x4c: {  	v61 =	vld [tilespmem:s13+$0xFFFFFFE0]  }
0x4d: {  	v62 =	vld [tilespmem:s13+$0x60];
	v0 =	vmul.f32 v1, v0  }
0x4e: {  	v1 =	vld [tilespmem:s20+$0xFFFFFF40]  }
0x4f: {  	[tilespmem:s13+$0xC0] =	vst v0;
	v0 =	vld [tilespmem:s13+$0xD0]  }
0x50: {  	v5 =	vld [tilespmem:s20+$0xD0]  }
0x51: {  	v63 =	vld [tilespmem:s13+$0xFFFFFF30];
	v4 =	vmul.f32 v6, v4  }
0x52: {  	v6 =	vld [tilespmem:s20+$0x80]  }
0x53: {  	[tilespmem:s13+$0xFFFFFF80] =	vst v4;
	v4 =	vmul.f32 v10, v9;
	v10 =	vld [tilespmem:s13+$0xFFFFFF50];
	v1 =	vmul.f32 v1, v3  }
0x54: {  	v3 =	vld [tilespmem:s13+$0x80]  }
0x55: {  	[tilespmem:s13+$0xFFFFFF40] =	vst v1;
	v0 =	vmul.f32 v5, v0;
	v5 =	vld [tilespmem:s13+$0x40]  }
0x56: {  	v1 =	vmul.f32 v8, v7;
	v8 =	vld [tilespmem:s20+$0xFFFFFF50]  }
0x57: {  	[tilespmem:s13+$0xD0] =	vst v0;
	v0 =	vld [tilespmem:s13+$0xE0]  }
0x58: {  	[tilespmem:s13+$0x0] =	vst v4;
	v12 =	vld [tilespmem:s20+$0xE0]  }
0x59: {  	v9 =	vld [tilespmem:s20+$0x10]  }
0x5a: {  	v7 =	vld [tilespmem:s13+$0xFFFFFF00]  }
0x5b: {  	[tilespmem:s13+$0xFFFFFFC0] =	vst v1;
	v1 =	vld [tilespmem:s20+$0xFFFFFF90]  }
0x5c: {  	v4 =	vld [tilespmem:s20+$0xFFFFFFD0];
	v8 =	vmul.f32 v8, v10  }
0x5d: {  	v5 =	vmul.f32 v11, v5;
	v11 =	vld [tilespmem:s13+$0xFFFFFF90];
	v0 =	vmul.f32 v12, v0  }
0x5e: {  	v10 =	vld [tilespmem:s13+$0x90];
	[tilespmem:s13+$0xFFFFFF50] =	vst v8  }
0x5f: {  	v8 =	vld [tilespmem:s20+$0xFFFFFF60];
	[tilespmem:s13+$0xE0] =	vst v0;
	v0 =	vmul.f32 v2, v7  }
0x60: {  	[tilespmem:s13+$0x40] =	vst v5;
	v7 =	vld [tilespmem:s13+$0xF0];
	v2 =	vmul.f32 v6, v3  }
0x61: {  	v5 =	vld [tilespmem:s20+$0xF0];
	[tilespmem:s13+$0xFFFFFF00] =	vst v0  }
0x62: {  	v1 =	vmul.f32 v1, v11;
	[tilespmem:s13+$0x80] =	vst v2;
	v2 =	vld [tilespmem:s13+$0xFFFFFF10]  }
0x63: {  	v3 =	vld [tilespmem:s20+$0xFFFFFF10]  }
0x64: {  	[tilespmem:s13+$0xFFFFFF90] =	vst v1;
	v1 =	vmul.f32 v9, v13;
	v6 =	vld [tilespmem:s20+$0x90]  }
0x65: {  	v4 =	vmul.f32 v4, v60;
	v0 =	vld [tilespmem:s20+$0x50]  }
0x66: {  	v9 =	vld [tilespmem:s20+$0xFFFFFFA0];
	[tilespmem:s13+$0x10] =	vst v1  }
0x67: {  	[tilespmem:s13+$0xFFFFFFD0] =	vst v4;
	v4 =	vld [tilespmem:s20+$0x20]  }
0x68: {  	v2 =	vmul.f32 v3, v2;
	v3 =	vld [tilespmem:s13+$0x50]  }
0x69: {  	v1 =	vmul.f32 v6, v10;
	v10 =	vld [tilespmem:s13+$0xFFFFFFA0]  }
0x6a: {  	[tilespmem:s13+$0xFFFFFF10] =	vst v2;
	v2 =	vld [tilespmem:s13+$0xFFFFFF20]  }
0x6b: {  	v11 =	vld [tilespmem:s20+$0xFFFFFF20]  }
0x6c: {  	v5 =	vmul.f32 v5, v7;
	[tilespmem:s13+$0x90] =	vst v1;
	v1 =	vld [tilespmem:s13+$0xFFFFFF60]  }
0x6d: {  	v7 =	vld [tilespmem:s13+$0x30]  }
0x6e: {  	[tilespmem:s13+$0xF0] =	vst v5;
	v5 =	vld [tilespmem:s13+$0x70]  }
0x6f: {  	v6 =	vld [tilespmem:s20+$0xA0]  }
0x70: {  	v0 =	vmul.f32 v0, v3;
	v3 =	vld [tilespmem:s20+$0xFFFFFFE0];
	v2 =	vmul.f32 v11, v2  }
0x71: {  	v1 =	vmul.f32 v8, v1;
	v8 =	vmul.f32 v9, v10;
	v9 =	vld [tilespmem:s13+$0xFFFFFFB0]  }
0x72: {  	[tilespmem:s13+$0xFFFFFF20] =	vst v2;
	v2 =	vld [tilespmem:s13+$0xA0]  }
0x73: {  	[tilespmem:s13+$0x50] =	vst v0;
	v11 =	vld [tilespmem:s13+$0x20]  }
0x74: {  	v0 =	vld [tilespmem:s20+$0x60];
	[tilespmem:s13+$0xFFFFFF60] =	vst v1  }
0x75: {  	[tilespmem:s13+$0xFFFFFFA0] =	vst v8;
	v8 =	vld [tilespmem:s13+$0xFFFFFFF0]  }
0x76: {  	v1 =	vmul.f32 v3, v61;
	v14 =	vld [tilespmem:s20+$0xFFFFFF70]  }
0x77: {  	v10 =	vld [tilespmem:s20+$0xFFFFFF30];
	v6 =	vmul.f32 v6, v2  }
0x78: {  	[tilespmem:s13+$0xFFFFFFE0] =	vst v1;
	v3 =	vmul.f32 v4, v11;
	v4 =	vld [tilespmem:s20+$0xFFFFFFB0]  }
0x79: {  	v0 =	vmul.f32 v0, v62;
	[tilespmem:s13+$0xA0] =	vst v6;
	v6 =	vld [tilespmem:s13+$0xFFFFFF70]  }
0x7a: {  	v1 =	vld [tilespmem:s20+$0xFFFFFFF0];
	[tilespmem:s13+$0x20] =	vst v3  }
0x7b: {  	[tilespmem:s13+$0x60] =	vst v0;
	v2 =	vld [tilespmem:s20+$0x30]  }
0x7c: {  	v3 =	vld [tilespmem:s20+$0x70];
	v10 =	vmul.f32 v10, v63  }
0x7d: {  	v0 =	vld [tilespmem:s20+$0xB0]  }
0x7e: {  	s16 =	simm.s32 $0xC80;
	s14 =	simm.s32 $0x0;
	[tilespmem:s13+$0xFFFFFF30] =	vst v10;
	v10 =	vmul.f32 v14, v6;
	v6 =	vld [tilespmem:s13+$0xB0]  }
.LBB2_3:
0x7f: {  	v11 =	vld [tilespmem:s16+$0xC0];
	v4 =	vmul.f32 v4, v9;
	s20 =	sadd.s32 $0x200, s20  }
0x80: {  	s14 =	sadd.s32 $0x8, s14;
	v9 =	vld [tilespmem:s20+$0xC0];
	[tilespmem:s13+$0xFFFFFF70] =	vst v10;
	v1 =	vmul.f32 v1, v8  }
0x81: {  	p0 =	slt.u32 s14, $0x78;
	v8 =	vld [tilespmem:s20+$0xFFFFFF00];
	[tilespmem:s13+$0xFFFFFFB0] =	vst v4;
	v2 =	vmul.f32 v2, v7  }
0x82: {  	v4 =	vld [tilespmem:s16+$0xFFFFFF40];
	[tilespmem:s13+$0xFFFFFFF0] =	vst v1;
	v1 =	vmul.f32 v3, v5  }
0x83: {  	v3 =	vld [tilespmem:s20+$0xFFFFFF40];
	[tilespmem:s13+$0x30] =	vst v2;
	v0 =	vmul.f32 v0, v6  }
0x84: {  	v2 =	vld [tilespmem:s16+$0xFFFFFF80];
	[tilespmem:s13+$0x70] =	vst v1  }
0x85: {  	v1 =	vld [tilespmem:s20+$0xFFFFFF80];
	v5 =	vmul.f32 v9, v11;
	[tilespmem:s13+$0xB0] =	vst v0;
	s13 =	smov.u32 s16  }
0x86: {  	v0 =	vld [tilespmem:s16+$0xFFFFFFC0]  }
0x87: {  	[tilespmem:s16+$0xC0] =	vst v5;
	v5 =	vld [tilespmem:s16+$0xD0]  }
0x88: {  	v3 =	vmul.f32 v3, v4;
	v4 =	vld [tilespmem:s20+$0xD0]  }
0x89: {  	v6 =	vld [tilespmem:s20+$0xFFFFFFC0]  }
0x8a: {  	[tilespmem:s16+$0xFFFFFF40] =	vst v3;
	v1 =	vmul.f32 v1, v2;
	v2 =	vld [tilespmem:s16+$0x0]  }
0x8b: {  	v3 =	vld [tilespmem:s20+$0x0]  }
0x8c: {  	[tilespmem:s16+$0xFFFFFF80] =	vst v1;
	v1 =	vld [tilespmem:s16+$0x40]  }
0x8d: {  	v7 =	vld [tilespmem:s20+$0x40];
	v4 =	vmul.f32 v4, v5  }
0x8e: {  	v0 =	vmul.f32 v6, v0;
	v5 =	vld [tilespmem:s16+$0x80]  }
0x8f: {  	[tilespmem:s16+$0xD0] =	vst v4;
	v4 =	vld [tilespmem:s16+$0xE0]  }
0x90: {  	[tilespmem:s16+$0xFFFFFFC0] =	vst v0;
	v0 =	vmul.f32 v3, v2;
	v2 =	vld [tilespmem:s20+$0xE0]  }
0x91: {  	v3 =	vld [tilespmem:s20+$0x80]  }
0x92: {  	v6 =	vld [tilespmem:s16+$0xFFFFFF00];
	[tilespmem:s16+$0x0] =	vst v0;
	v0 =	vmul.f32 v7, v1  }
0x93: {  	v1 =	vld [tilespmem:s20+$0xFFFFFF50]  }
0x94: {  	v7 =	vld [tilespmem:s20+$0xFFFFFF90];
	[tilespmem:s16+$0x40] =	vst v0  }
0x95: {  	v0 =	vld [tilespmem:s20+$0xFFFFFFD0];
	v2 =	vmul.f32 v2, v4  }
0x96: {  	v4 =	vld [tilespmem:s20+$0x10];
	v3 =	vmul.f32 v3, v5  }
0x97: {  	v5 =	vmul.f32 v8, v6;
	[tilespmem:s16+$0xE0] =	vst v2;
	v2 =	vld [tilespmem:s16+$0xF0]  }
0x98: {  	[tilespmem:s16+$0x80] =	vst v3;
	v3 =	vld [tilespmem:s20+$0xF0]  }
0x99: {  	[tilespmem:s16+$0xFFFFFF00] =	vst v5;
	v5 =	vld [tilespmem:s20+$0x50]  }
0x9a: {  	v6 =	vld [tilespmem:s20+$0xFFFFFF10]  }
0x9b: {  	v8 =	vld [tilespmem:s20+$0x90]  }
0x9c: {  	v9 =	vld [tilespmem:s16+$0xFFFFFF10]  }
0x9d: {  	v10 =	vld [tilespmem:s16+$0xFFFFFF50];
	v2 =	vmul.f32 v3, v2  }
0x9e: {  	v3 =	vld [tilespmem:s16+$0xFFFFFF90]  }
0x9f: {  	v11 =	vld [tilespmem:s16+$0xFFFFFFD0];
	[tilespmem:s16+$0xF0] =	vst v2  }
0xa0: {  	v2 =	vld [tilespmem:s16+$0x10]  }
0xa1: {  	v6 =	vmul.f32 v6, v9;
	v9 =	vld [tilespmem:s16+$0x50]  }
0xa2: {  	v1 =	vmul.f32 v1, v10;
	v10 =	vld [tilespmem:s16+$0x90]  }
0xa3: {  	[tilespmem:s16+$0xFFFFFF10] =	vst v6;
	v6 =	vld [tilespmem:s16+$0xFFFFFF20];
	v3 =	vmul.f32 v7, v3  }
0xa4: {  	v7 =	vld [tilespmem:s20+$0xFFFFFF20];
	[tilespmem:s16+$0xFFFFFF50] =	vst v1;
	v0 =	vmul.f32 v0, v11  }
0xa5: {  	v1 =	vld [tilespmem:s20+$0xFFFFFF60];
	[tilespmem:s16+$0xFFFFFF90] =	vst v3;
	v2 =	vmul.f32 v4, v2  }
0xa6: {  	v3 =	vld [tilespmem:s20+$0xFFFFFFA0];
	[tilespmem:s16+$0xFFFFFFD0] =	vst v0;
	v0 =	vmul.f32 v5, v9  }
0xa7: {  	v4 =	vld [tilespmem:s20+$0xFFFFFFE0];
	[tilespmem:s16+$0x10] =	vst v2;
	v2 =	vmul.f32 v8, v10  }
0xa8: {  	v5 =	vld [tilespmem:s20+$0x20];
	[tilespmem:s16+$0x50] =	vst v0  }
0xa9: {  	v0 =	vmul.f32 v7, v6;
	v6 =	vld [tilespmem:s20+$0x60];
	[tilespmem:s16+$0x90] =	vst v2  }
0xaa: {  	v2 =	vld [tilespmem:s20+$0xA0]  }
0xab: {  	[tilespmem:s16+$0xFFFFFF20] =	vst v0;
	v0 =	vld [tilespmem:s16+$0xFFFFFF60]  }
0xac: {  	v7 =	vld [tilespmem:s16+$0xFFFFFFA0]  }
0xad: {  	v8 =	vld [tilespmem:s16+$0xFFFFFFE0]  }
0xae: {  	v9 =	vld [tilespmem:s16+$0x20]  }
0xaf: {  	v10 =	vld [tilespmem:s16+$0x60]  }
0xb0: {  	v0 =	vmul.f32 v1, v0;
	v11 =	vld [tilespmem:s16+$0xA0]  }
0xb1: {  	v12 =	vld [tilespmem:s20+$0xFFFFFF30];
	v1 =	vmul.f32 v3, v7  }
0xb2: {  	v3 =	vld [tilespmem:s16+$0xFFFFFF30];
	[tilespmem:s16+$0xFFFFFF60] =	vst v0;
	v0 =	vmul.f32 v4, v8  }
0xb3: {  	v13 =	vld [tilespmem:s20+$0xFFFFFF70];
	[tilespmem:s16+$0xFFFFFFA0] =	vst v1;
	v5 =	vmul.f32 v5, v9  }
0xb4: {  	v4 =	vld [tilespmem:s20+$0xFFFFFFB0];
	[tilespmem:s16+$0xFFFFFFE0] =	vst v0;
	v0 =	vmul.f32 v6, v10  }
0xb5: {  	v1 =	vld [tilespmem:s20+$0xFFFFFFF0];
	[tilespmem:s16+$0x20] =	vst v5;
	v5 =	vmul.f32 v2, v11  }
0xb6: {  	v2 =	vld [tilespmem:s20+$0x30];
	[tilespmem:s16+$0x60] =	vst v0  }
0xb7: {  	v6 =	vmul.f32 v12, v3;
	v3 =	vld [tilespmem:s20+$0x70];
	[tilespmem:s16+$0xA0] =	vst v5  }
0xb8: {  	v0 =	vld [tilespmem:s20+$0xB0]  }
0xb9: {  	[tilespmem:s16+$0xFFFFFF30] =	vst v6;
	v6 =	vld [tilespmem:s16+$0xFFFFFF70]  }
.Ltmp0:
0xba: {  	v9 =	vld [tilespmem:s16+$0xFFFFFFB0];
	(pc) =	sbr.rel @p0 .LBB2_3-.Ltmp0, $4  }
0xbb: {  	v8 =	vld [tilespmem:s16+$0xFFFFFFF0]  }
0xbc: {  	v7 =	vld [tilespmem:s16+$0x30]  }
0xbd: {  	v5 =	vld [tilespmem:s16+$0x70]  }
0xbe: {  	s16 =	sadd.s32 $0x200, s16;
	v10 =	vmul.f32 v13, v6;
	v6 =	vld [tilespmem:s13+$0xB0]  }
0xbf: {  	v4 =	vmul.f32 v4, v9  }
0xc0: {  	[tilespmem:s13+$0xFFFFFF70] =	vst v10;
	v1 =	vmul.f32 v1, v8  }
0xc1: {  	[tilespmem:s13+$0xFFFFFFB0] =	vst v4;
	v2 =	vmul.f32 v2, v7  }
0xc2: {  	[tilespmem:s13+$0xFFFFFFF0] =	vst v1;
	v63 =	vmul.f32 v3, v5  }
0xc3: {  	[tilespmem:s13+$0x30] =	vst v2;
	v0 =	vmul.f32 v0, v6  }
0xc4: {  	[tilespmem:s13+$0x70] =	vst v63  }
0xc5: {  	[tilespmem:s13+$0xB0] =	vst v0  }
0xc6: {  	[spmem:s3] =	stream.indirect.scatter.add.f32 [tilespmem:s31], [sflag:$0x2], $0x40, s30, s29, $0xb8;
	[tilespmem:$0x1DC80] =	vst v63  }
0xc7: {  	s25 =	sadd.s32 $0x1, s25;
	_ =	swait.ge [sflag:s26], $0x2000  }
0xc8: {  	p0 =	sne.s32 s25, $0xA0;
	[sflag:s26] =	ssyncset.done $0x0  }
.Ltmp1:
0xc9: {  	[sflag:s26] =	ssyncadd.s32 $0xFFFFE000;
	(pc) =	sbr.rel @p0 .LBB2_2-.Ltmp1, $4  }
0xca: {  	[spmem:s4] =	stream.indirect.scatter.add.f32 [tilespmem:s28], [sflag:$0x2], $0x10, s30, s29, $0xb8;
	[tilespmem:$0x1DC80] =	vst v63  }
0xcb: {  	_ =	swait.ge [sflag:s26], $0x800  }
0xcc: {  	[sflag:s26] =	ssyncset.done $0x0  }
0xcd: {  	[sflag:s26] =	ssyncadd.s32 $0xFFFFF800  }
0xce: {  	[bflag:$0x0] =	sbarrier.arrive $0xFFFF  }
0xcf: {  	s13 =	rddreg [dreg:$0xe]  }
0xd0: {  	[tilespmem:s24], [sflag:$0x2] =	stream.linear.gather [spmem:s13], $0x9E00, $0x38;
	[tilespmem:$0x1DC80] =	vst v63  }
0xd1: {  	_ =	swait.ge [sflag:s26], $0x9E00  }
0xd2: {  	[sflag:s26] =	ssyncset.done $0x0  }
0xd3: {  	s14 =	simm.s32 $0xEF80;
	s20 =	rddreg [dreg:$0xa];
	[sflag:s26] =	ssyncadd.s32 $0xFFFF6200  }
0xd4: {  	[tilespmem:s14], [sflag:$0x2] =	stream.linear.gather [spmem:s20], $0x2780, $0x38;
	[tilespmem:$0x1DC80] =	vst v63  }
0xd5: {  	_ =	swait.ge [sflag:s26], $0x2780  }
0xd6: {  	[sflag:s26] =	ssyncset.done $0x0  }
0xd7: {  	s25 =	simm.s32 $0xEFA0;
	[sflag:s26] =	ssyncadd.s32 $0xFFFFD880  }
0xd8: {  	v0 =	vld [tilespmem:s25+$0x10]  }
0xd9: {  	v1 =	vld [tilespmem:s25+$0xFFFFFFF0]  }
0xda: {  	v2 =	vld [tilespmem:s25+$0x0]  }
0xdb: {  	v3 =	vld [tilespmem:s25+$0xFFFFFFE0];
	_ =	sdelay $0x1  }
0xdc: {  	v0 =	vmax.f32 v0, $1.000000000e+00  }
0xdd: {  	v1 =	vmax.f32 v1, $1.000000000e+00;
	(erf) = vrcp.f32 v0  }
0xde: {  	v0 =	vmax.f32 v2, $1.000000000e+00;
	(erf) = vrcp.f32 v1  }
0xdf: {  	v1 =	vmax.f32 v3, $1.000000000e+00;
	(erf) = vrcp.f32 v0  }
0xe0: {  	(erf) = vrcp.f32 v1  }
0xe1: {  	s13 =	simm.s32 $0x5200  }
0xe2: {  	v8 =	vld [tilespmem:s13+$0xFFFFFF80]  }
0xe3: {  	v1 =	vld [tilespmem:s13+$0x70]  }
0xe4: {  	v9 =	vld [tilespmem:s13+$0xFFFFFF90]  }
0xe5: {  	v5 =	vld [tilespmem:s13+$0xFFFFFFB0]  }
0xe6: {  	v3 =	vld [tilespmem:s13+$0xFFFFFFA0];
	v0 =	vpop (erf)  }
0xe7: {  	v4 =	vld [tilespmem:s13+$0xFFFFFFC0];
	v2 =	vpop (erf)  }
0xe8: {  	v6 =	vld [tilespmem:s13+$0xFFFFFFD0];
	v11 =	vmul.f32 v1, v0;
	v1 =	vpop (erf)  }
0xe9: {  	v7 =	vld [tilespmem:s13+$0xFFFFFFE0];
	v10 =	vpop (erf)  }
0xea: {  	s16 =	simm.s32 $0x0;
	s20 =	simm.s32 $0xEFE0;
	s14 =	simm.s32 $0x5200;
	[tilespmem:s13+$0x70] =	vst v11;
	v11 =	vmul.f32 v10, v8;
	v9 =	vmul.f32 v9, v10;
	v8 =	vld [tilespmem:s13+$0xFFFFFFF0]  }
.LBB2_6:
0xeb: {  	v12 =	vld [tilespmem:s20+$0x10];
	s16 =	sadd.s32 $0x4, s16;
	v3 =	vmul.f32 v3, v10;
	v5 =	vmul.f32 v5, v10  }
0xec: {  	v10 =	vld [tilespmem:s20+$0xFFFFFFF0];
	p0 =	slt.u32 s16, $0x274;
	[tilespmem:s13+$0xFFFFFF80] =	vst v11;
	v4 =	vmul.f32 v2, v4  }
0xed: {  	v11 =	vld [tilespmem:s20+$0x0];
	[tilespmem:s13+$0xFFFFFF90] =	vst v9;
	v6 =	vmul.f32 v6, v2  }
0xee: {  	v9 =	vld [tilespmem:s20+$0xFFFFFFE0];
	[tilespmem:s13+$0xFFFFFFA0] =	vst v3;
	v3 =	vmul.f32 v7, v2  }
0xef: {  	[tilespmem:s13+$0xFFFFFFB0] =	vst v5;
	v2 =	vmul.f32 v8, v2;
	v5 =	vld [tilespmem:s13+$0x0]  }
0xf0: {  	v7 =	vmax.f32 v12, $1.000000000e+00;
	[tilespmem:s13+$0xFFFFFFC0] =	vst v4;
	v4 =	vld [tilespmem:s13+$0x10]  }
0xf1: {  	v8 =	vmax.f32 v10, $1.000000000e+00;
	(erf) = vrcp.f32 v7;
	[tilespmem:s13+$0xFFFFFFD0] =	vst v6;
	v6 =	vld [tilespmem:s13+$0x20]  }
0xf2: {  	v7 =	vmax.f32 v11, $1.000000000e+00;
	(erf) = vrcp.f32 v8;
	[tilespmem:s13+$0xFFFFFFE0] =	vst v3;
	v3 =	vld [tilespmem:s13+$0x30]  }
0xf3: {  	v8 =	vmax.f32 v9, $1.000000000e+00;
	(erf) = vrcp.f32 v7;
	[tilespmem:s13+$0xFFFFFFF0] =	vst v2;
	v2 =	vld [tilespmem:s13+$0x40]  }
0xf4: {  	(erf) = vrcp.f32 v8;
	v5 =	vmul.f32 v1, v5;
	v7 =	vld [tilespmem:s13+$0x50]  }
0xf5: {  	s13 =	sadd.s32 $0x100, s13;
	v4 =	vmul.f32 v4, v1;
	v8 =	vld [tilespmem:s14+$0x60]  }
0xf6: {  	v9 =	vld [tilespmem:s13+$0x70];
	[tilespmem:s14+$0x0] =	vst v5;
	v5 =	vmul.f32 v6, v1  }
0xf7: {  	v11 =	vld [tilespmem:s13+$0xFFFFFF80];
	[tilespmem:s14+$0x10] =	vst v4;
	v1 =	vmul.f32 v3, v1  }
0xf8: {  	v12 =	vld [tilespmem:s13+$0xFFFFFF90];
	[tilespmem:s14+$0x20] =	vst v5;
	v6 =	vmul.f32 v0, v2  }
0xf9: {  	v3 =	vld [tilespmem:s13+$0xFFFFFFA0];
	[tilespmem:s14+$0x30] =	vst v1;
	v10 =	vmul.f32 v7, v0  }
.Ltmp2:
0xfa: {  	v5 =	vld [tilespmem:s13+$0xFFFFFFB0];
	[tilespmem:s14+$0x40] =	vst v6;
	v7 =	vmul.f32 v8, v0;
	v0 =	vpop (erf);
	(pc) =	sbr.rel @p0 .LBB2_6-.Ltmp2, $4  }
0xfb: {  	v4 =	vld [tilespmem:s13+$0xFFFFFFC0];
	v8 =	vmul.f32 v9, v0;
	v2 =	vpop (erf);
	[tilespmem:s14+$0x50] =	vst v10  }
0xfc: {  	v6 =	vld [tilespmem:s13+$0xFFFFFFD0];
	v1 =	vpop (erf);
	[tilespmem:s14+$0x60] =	vst v7;
	s14 =	smov.u32 s13  }
0xfd: {  	v7 =	vld [tilespmem:s13+$0xFFFFFFE0];
	[tilespmem:s13+$0x70] =	vst v8;
	v10 =	vpop (erf)  }
0xfe: {  	s20 =	sadd.s32 $0x40, s20;
	v11 =	vmul.f32 v10, v11;
	v9 =	vmul.f32 v12, v10;
	v8 =	vld [tilespmem:s13+$0xFFFFFFF0]  }
0xff: {  	_ = 	snop  }
0x100: {  	v3 =	vmul.f32 v3, v10;
	[tilespmem:s13+$0xFFFFFF80] =	vst v11  }
0x101: {  	v5 =	vmul.f32 v5, v10;
	v50 =	vld [tilespmem:s13+$0x0];
	[tilespmem:s13+$0xFFFFFF90] =	vst v9  }
0x102: {  	v51 =	vld [tilespmem:s13+$0x10];
	v4 =	vmul.f32 v2, v4;
	[tilespmem:s13+$0xFFFFFFA0] =	vst v3  }
0x103: {  	v52 =	vld [tilespmem:s13+$0x20];
	v6 =	vmul.f32 v6, v2;
	[tilespmem:s13+$0xFFFFFFB0] =	vst v5  }
0x104: {  	v53 =	vld [tilespmem:s13+$0x30];
	v7 =	vmul.f32 v7, v2;
	[tilespmem:s13+$0xFFFFFFC0] =	vst v4  }
0x105: {  	v55 =	vld [tilespmem:s13+$0x40];
	v54 =	vmul.f32 v8, v2;
	[tilespmem:s13+$0xFFFFFFD0] =	vst v6  }
0x106: {  	v57 =	vld [tilespmem:s13+$0x50];
	[tilespmem:s13+$0xFFFFFFE0] =	vst v7;
	v56 =	vmul.f32 v1, v50  }
0x107: {  	v59 =	vld [tilespmem:s14+$0x60];
	v58 =	vmul.f32 v51, v1;
	[tilespmem:s13+$0xFFFFFFF0] =	vst v54  }
0x108: {  	v5 =	vmul.f32 v52, v1;
	[tilespmem:s14+$0x0] =	vst v56  }
0x109: {  	v60 =	vmul.f32 v53, v1;
	[tilespmem:s14+$0x10] =	vst v58  }
0x10a: {  	v61 =	vmul.f32 v0, v55;
	[tilespmem:s14+$0x20] =	vst v5  }
0x10b: {  	v62 =	vmul.f32 v57, v0;
	[tilespmem:s14+$0x30] =	vst v60  }
0x10c: {  	v63 =	vmul.f32 v59, v0;
	[tilespmem:s14+$0x40] =	vst v61  }
0x10d: {  	[tilespmem:s14+$0x50] =	vst v62  }
0x10e: {  	[tilespmem:s14+$0x60] =	vst v63  }
0x10f: {  	s13 =	simm.s32 $0x0;
	s14 =	rddreg [dreg:$0xb]  }
0x110: {  	[hbm4b:s14+s13] =	stream.linear.scatter [tilespmem:s24], [sflag:$0x2], $0x9E00, $0x38;
	[tilespmem:$0x1DC80] =	vst v63  }
0x111: {  	_ =	swait.ge [sflag:s26], $0x9E00  }
0x112: {  	[sflag:s26] =	ssyncset.done $0x0  }
0x113: {  	[sflag:s26] =	ssyncadd.s32 $0xFFFF6200  }
0x114: {  	[bflag:$0x0] =	sbarrier.arrive $0xFFFF  }
0x115: {  	s25 =	rddreg [dreg:$0x8]  }
0x116: {  	s24 =	rddreg [dreg:$0x9]  }
0x117: {  	[spmem:s19], [sflag:s24] =	dma.local [hbm:s25], $0x13C0  }
0x118: {  	_ =	swait.ge [sflag:s26], $0x13C0  }
0x119: {  	[sflag:s26] =	ssyncset.done $0x0  }
0x11a: {  	[sflag:s26] =	ssyncadd.s32 $0xFFFFEC40  }
0x11b: {  	[bflag:$0x0] =	sbarrier.arrive $0xFFFF  }
0x11c: {  	s19 =	rddreg [dreg:$0xe]  }
.LBB2_8:
0x11d: {  	s14 =	sadd.s32 s21, s13  }
0x11e: {  	s16 =	sshll.u32 s14, $0x7  }
0x11f: {  	s16 =	sadd.s32 s23, s16  }
0x120: {  	s16 =	sshrl.u32 s16, $0x3  }
0x121: {  	s16 =	sadd.s32 s10, s16  }
0x122: {  	[tilespmem:s6], [sflag:$0x2] =	stream.linear.gather [hbm4b:s16+s6], $0x80, $0x38;
	[tilespmem:$0x1DC80] =	vst v63  }
0x123: {  	_ =	swait.ge [sflag:s26], $0x80  }
0x124: {  	s20 =	sshll.u32 s14, $0x4;
	[sflag:s26] =	ssyncset.done $0x0  }
0x125: {  	s16 =	sadd.s32 s12, s20;
	[sflag:s26] =	ssyncadd.s32 $0xFFFFFF80  }
0x126: {  	[tilespmem:s30], [sflag:$0x2] =	stream.linear.gather [hbm4b:s16+s6], $0x80, $0x38;
	[tilespmem:$0x1DC80] =	vst v63  }
0x127: {  	_ =	swait.ge [sflag:s26], $0x80  }
0x128: {  	s14 =	sshll.u32 s14, $0x8;
	[sflag:s26] =	ssyncset.done $0x0  }
0x129: {  	s14 =	sadd.s32 s11, s14;
	[sflag:s26] =	ssyncadd.s32 $0xFFFFFF80  }
0x12a: {  	[tilespmem:s15], [sflag:$0x2] =	stream.linear.gather [hbm4b:s14+s6], $0x800, $0x38;
	[tilespmem:$0x1DC80] =	vst v63  }
0x12b: {  	_ =	swait.ge [sflag:s26], $0x800  }
0x12c: {  	[sflag:s26] =	ssyncset.done $0x0  }
0x12d: {  	[sflag:s26] =	ssyncadd.s32 $0xFFFFF800  }
0x12e: {  	[tilespmem:s31], [sflag:$0x1] =	stream.indirect.gather [hbm4b:s1+s29], $0x40, s6, s29, $0xb8;
	[tilespmem:$0x1DC80] =	vst v63  }
0x12f: {  	_ =	swait.ge [sflag:s0], $0x2000  }
0x130: {  	[sflag:s0] =	ssyncset.done $0x0  }
0x131: {  	s24 =	simm.s32 $0x1C0;
	[sflag:s0] =	ssyncadd.s32 $0xFFFFE000  }
0x132: {  	s20 =	simm.s32 $0xA80;
	v1 =	vld [tilespmem:s24+$0x30]  }
0x133: {  	v5 =	vld [tilespmem:s20+$0xF0]  }
0x134: {  	v2 =	vld [tilespmem:s20+$0xFFFFFF00]  }
0x135: {  	v3 =	vld [tilespmem:s20+$0xFFFFFF10]  }
0x136: {  	v4 =	vld [tilespmem:s20+$0xFFFFFF20]  }
0x137: {  	v0 =	vld [tilespmem:s20+$0xFFFFFF30]  }
0x138: {  	v6 =	vld [tilespmem:s24+$0xFFFFFFD0]  }
0x139: {  	v7 =	vld [tilespmem:s20+$0xFFFFFF40]  }
0x13a: {  	v8 =	vld [tilespmem:s20+$0xFFFFFF50]  }
0x13b: {  	v9 =	vld [tilespmem:s20+$0xFFFFFF60]  }
0x13c: {  	v10 =	vld [tilespmem:s20+$0xFFFFFF70]  }
0x13d: {  	v11 =	vld [tilespmem:s24+$0xFFFFFFE0]  }
0x13e: {  	v12 =	vld [tilespmem:s20+$0xFFFFFF80]  }
0x13f: {  	v13 =	vld [tilespmem:s20+$0xFFFFFF90]  }
0x140: {  	v14 =	vld [tilespmem:s20+$0xFFFFFFA0]  }
0x141: {  	v15 =	vld [tilespmem:s20+$0xFFFFFFB0]  }
0x142: {  	v16 =	vld [tilespmem:s24+$0xFFFFFFF0];
	v5 =	vmul.f32 v5, v1  }
0x143: {  	v17 =	vld [tilespmem:s20+$0xFFFFFFC0];
	v7 =	vmul.f32 v7, v6  }
0x144: {  	[tilespmem:s20+$0xF0] =	vst v5;
	v5 =	vmul.f32 v8, v6;
	v8 =	vld [tilespmem:s20+$0xFFFFFFD0]  }
0x145: {  	[tilespmem:s20+$0xFFFFFF40] =	vst v7;
	v7 =	vmul.f32 v9, v6;
	v9 =	vld [tilespmem:s20+$0xFFFFFFE0]  }
0x146: {  	[tilespmem:s20+$0xFFFFFF50] =	vst v5;
	v5 =	vmul.f32 v10, v6;
	v6 =	vld [tilespmem:s20+$0xFFFFFFF0]  }
0x147: {  	[tilespmem:s20+$0xFFFFFF60] =	vst v7;
	v7 =	vmul.f32 v12, v11;
	v10 =	vld [tilespmem:s24+$0x0]  }
0x148: {  	v12 =	vld [tilespmem:s20+$0x0];
	[tilespmem:s20+$0xFFFFFF70] =	vst v5;
	v5 =	vmul.f32 v13, v11  }
0x149: {  	[tilespmem:s20+$0xFFFFFF80] =	vst v7;
	v7 =	vmul.f32 v14, v11;
	v13 =	vld [tilespmem:s20+$0x10]  }
0x14a: {  	v14 =	vld [tilespmem:s20+$0x30];
	[tilespmem:s20+$0xFFFFFF90] =	vst v5;
	v5 =	vmul.f32 v15, v11  }
0x14b: {  	v11 =	vld [tilespmem:s20+$0x20];
	[tilespmem:s20+$0xFFFFFFA0] =	vst v7;
	v7 =	vmul.f32 v17, v16  }
0x14c: {  	v15 =	vld [tilespmem:s20+$0x70];
	[tilespmem:s20+$0xFFFFFFB0] =	vst v5;
	v5 =	vmul.f32 v8, v16  }
0x14d: {  	v8 =	vld [tilespmem:s24+$0x10];
	[tilespmem:s20+$0xFFFFFFC0] =	vst v7;
	v7 =	vmul.f32 v9, v16  }
0x14e: {  	v9 =	vld [tilespmem:s20+$0x40];
	[tilespmem:s20+$0xFFFFFFD0] =	vst v5;
	v5 =	vmul.f32 v6, v16  }
0x14f: {  	v6 =	vld [tilespmem:s20+$0x50];
	[tilespmem:s20+$0xFFFFFFE0] =	vst v7;
	v7 =	vmul.f32 v12, v10  }
0x150: {  	v13 =	vmul.f32 v13, v10;
	v12 =	vld [tilespmem:s20+$0x60];
	[tilespmem:s20+$0xFFFFFFF0] =	vst v5  }
0x151: {  	[tilespmem:s20+$0x0] =	vst v7;
	v7 =	vmul.f32 v11, v10;
	v5 =	vld [tilespmem:s24+$0x20]  }
0x152: {  	[tilespmem:s20+$0x10] =	vst v13;
	v10 =	vmul.f32 v14, v10;
	v11 =	vld [tilespmem:s20+$0x80]  }
0x153: {  	v13 =	vld [tilespmem:s20+$0x90];
	[tilespmem:s20+$0x20] =	vst v7;
	v7 =	vmul.f32 v9, v8  }
0x154: {  	v14 =	vld [tilespmem:s20+$0xA0];
	[tilespmem:s20+$0x30] =	vst v10;
	v6 =	vmul.f32 v6, v8  }
0x155: {  	v10 =	vld [tilespmem:s20+$0xB0];
	[tilespmem:s20+$0x40] =	vst v7;
	v7 =	vmul.f32 v12, v8  }
0x156: {  	[tilespmem:s20+$0x50] =	vst v6;
	v6 =	vmul.f32 v15, v8;
	v8 =	vld [tilespmem:s20+$0xC0]  }
0x157: {  	v9 =	vld [tilespmem:s20+$0xD0];
	v12 =	vmul.f32 v11, v5;
	[tilespmem:s20+$0x60] =	vst v7  }
0x158: {  	v11 =	vmul.f32 v13, v5;
	v7 =	vld [tilespmem:s20+$0xE0];
	[tilespmem:s20+$0x70] =	vst v6  }
0x159: {  	s16 =	simm.s32 $0x240;
	s14 =	simm.s32 $0x0;
	v6 =	vld [tilespmem:s24+$0xFFFFFFC0];
	[tilespmem:s20+$0x80] =	vst v12;
	v12 =	vmul.f32 v14, v5;
	s24 =	simm.s32 $0xA80  }
.LBB2_9:
0x15a: {  	v13 =	vld [tilespmem:s16+$0x30];
	[tilespmem:s20+$0x90] =	vst v11;
	v5 =	vmul.f32 v10, v5;
	s24 =	sadd.s32 $0x200, s24  }
0x15b: {  	s14 =	sadd.s32 $0x8, s14;
	v10 =	vld [tilespmem:s24+$0xF0];
	[tilespmem:s20+$0xA0] =	vst v12;
	v8 =	vmul.f32 v8, v1  }
0x15c: {  	p0 =	slt.u32 s14, $0x78;
	v11 =	vld [tilespmem:s24+$0xFFFFFF00];
	[tilespmem:s20+$0xB0] =	vst v5;
	v5 =	vmul.f32 v9, v1  }
0x15d: {  	v9 =	vld [tilespmem:s24+$0xFFFFFF10];
	[tilespmem:s20+$0xC0] =	vst v8;
	v8 =	vmul.f32 v7, v1  }
0x15e: {  	v7 =	vld [tilespmem:s24+$0xFFFFFF20];
	v12 =	vmul.f32 v2, v6;
	v3 =	vmul.f32 v3, v6;
	[tilespmem:s20+$0xD0] =	vst v5  }
0x15f: {  	v4 =	vmul.f32 v4, v6;
	v5 =	vmul.f32 v0, v6;
	v0 =	vld [tilespmem:s24+$0xFFFFFF30];
	[tilespmem:s20+$0xE0] =	vst v8;
	v1 =	vmov v13  }
0x160: {  	v6 =	vld [tilespmem:s16+$0xFFFFFFD0];
	v8 =	vmul.f32 v10, v1;
	[tilespmem:s20+$0xFFFFFF00] =	vst v12  }
0x161: {  	v10 =	vld [tilespmem:s24+$0xFFFFFF40];
	[tilespmem:s20+$0xFFFFFF10] =	vst v3;
	v2 =	vmov v11  }
0x162: {  	v11 =	vld [tilespmem:s24+$0xFFFFFF50];
	[tilespmem:s24+$0xF0] =	vst v8;
	v3 =	vmov v9  }
0x163: {  	v8 =	vld [tilespmem:s24+$0xFFFFFF60];
	[tilespmem:s20+$0xFFFFFF20] =	vst v4;
	v4 =	vmov v7  }
0x164: {  	v7 =	vld [tilespmem:s24+$0xFFFFFF70];
	[tilespmem:s20+$0xFFFFFF30] =	vst v5;
	s20 =	smov.u32 s24  }
0x165: {  	v5 =	vld [tilespmem:s16+$0xFFFFFFE0]  }
0x166: {  	v9 =	vmul.f32 v10, v6;
	v10 =	vld [tilespmem:s24+$0xFFFFFF80]  }
0x167: {  	v11 =	vmul.f32 v11, v6;
	v12 =	vld [tilespmem:s24+$0xFFFFFF90]  }
0x168: {  	[tilespmem:s24+$0xFFFFFF40] =	vst v9;
	v8 =	vmul.f32 v8, v6;
	v9 =	vld [tilespmem:s24+$0xFFFFFFA0]  }
0x169: {  	[tilespmem:s24+$0xFFFFFF50] =	vst v11;
	v6 =	vmul.f32 v7, v6;
	v7 =	vld [tilespmem:s24+$0xFFFFFFB0]  }
0x16a: {  	[tilespmem:s24+$0xFFFFFF60] =	vst v8;
	v8 =	vld [tilespmem:s16+$0xFFFFFFF0]  }
0x16b: {  	[tilespmem:s24+$0xFFFFFF70] =	vst v6;
	v6 =	vmul.f32 v10, v5;
	v10 =	vld [tilespmem:s24+$0xFFFFFFC0]  }
0x16c: {  	v11 =	vmul.f32 v12, v5;
	v12 =	vld [tilespmem:s24+$0xFFFFFFD0]  }
0x16d: {  	[tilespmem:s24+$0xFFFFFF80] =	vst v6;
	v6 =	vmul.f32 v9, v5;
	v9 =	vld [tilespmem:s24+$0xFFFFFFE0]  }
0x16e: {  	[tilespmem:s24+$0xFFFFFF90] =	vst v11;
	v5 =	vmul.f32 v7, v5;
	v7 =	vld [tilespmem:s24+$0xFFFFFFF0]  }
0x16f: {  	[tilespmem:s24+$0xFFFFFFA0] =	vst v6;
	v6 =	vld [tilespmem:s16+$0x0]  }
0x170: {  	[tilespmem:s24+$0xFFFFFFB0] =	vst v5;
	v5 =	vmul.f32 v10, v8;
	v10 =	vld [tilespmem:s24+$0x0]  }
0x171: {  	v11 =	vmul.f32 v12, v8;
	v12 =	vld [tilespmem:s24+$0x10]  }
0x172: {  	[tilespmem:s24+$0xFFFFFFC0] =	vst v5;
	v5 =	vmul.f32 v9, v8;
	v9 =	vld [tilespmem:s24+$0x20]  }
0x173: {  	[tilespmem:s24+$0xFFFFFFD0] =	vst v11;
	v7 =	vmul.f32 v7, v8;
	v8 =	vld [tilespmem:s24+$0x30]  }
0x174: {  	[tilespmem:s24+$0xFFFFFFE0] =	vst v5;
	v11 =	vld [tilespmem:s16+$0x10]  }
0x175: {  	[tilespmem:s24+$0xFFFFFFF0] =	vst v7;
	v5 =	vmul.f32 v10, v6;
	v7 =	vld [tilespmem:s24+$0x40]  }
0x176: {  	v10 =	vmul.f32 v12, v6;
	v12 =	vld [tilespmem:s24+$0x50]  }
0x177: {  	[tilespmem:s24+$0x0] =	vst v5;
	v5 =	vmul.f32 v9, v6;
	v9 =	vld [tilespmem:s24+$0x60]  }
0x178: {  	[tilespmem:s24+$0x10] =	vst v10;
	v6 =	vmul.f32 v8, v6;
	v8 =	vld [tilespmem:s24+$0x70]  }
0x179: {  	[tilespmem:s24+$0x20] =	vst v5;
	v5 =	vld [tilespmem:s16+$0x20]  }
0x17a: {  	[tilespmem:s24+$0x30] =	vst v6;
	v6 =	vmul.f32 v7, v11;
	v7 =	vld [tilespmem:s24+$0x80]  }
0x17b: {  	v10 =	vmul.f32 v12, v11;
	v12 =	vld [tilespmem:s24+$0x90]  }
0x17c: {  	[tilespmem:s24+$0x40] =	vst v6;
	v6 =	vmul.f32 v9, v11;
	v13 =	vld [tilespmem:s24+$0xA0]  }
.Ltmp3:
0x17d: {  	[tilespmem:s24+$0x50] =	vst v10;
	v9 =	vmul.f32 v8, v11;
	v10 =	vld [tilespmem:s24+$0xB0];
	(pc) =	sbr.rel @p0 .LBB2_9-.Ltmp3, $4  }
0x17e: {  	[tilespmem:s24+$0x60] =	vst v6;
	v8 =	vld [tilespmem:s24+$0xC0]  }
0x17f: {  	[tilespmem:s24+$0x70] =	vst v9;
	v14 =	vmul.f32 v7, v5;
	v9 =	vld [tilespmem:s24+$0xD0]  }
0x180: {  	v11 =	vmul.f32 v12, v5;
	v7 =	vld [tilespmem:s24+$0xE0]  }
0x181: {  	v6 =	vld [tilespmem:s16+$0xFFFFFFC0];
	[tilespmem:s24+$0x80] =	vst v14;
	v12 =	vmul.f32 v13, v5;
	s16 =	sadd.s32 $0x80, s16  }
0x182: {  	[tilespmem:s20+$0x90] =	vst v11;
	v5 =	vmul.f32 v10, v5  }
0x183: {  	[tilespmem:s20+$0xA0] =	vst v12;
	v8 =	vmul.f32 v8, v1  }
0x184: {  	[tilespmem:s20+$0xB0] =	vst v5;
	v61 =	vmul.f32 v9, v1  }
0x185: {  	[tilespmem:s20+$0xC0] =	vst v8;
	v62 =	vmul.f32 v7, v1  }
0x186: {  	v2 =	vmul.f32 v2, v6;
	[tilespmem:s20+$0xD0] =	vst v61  }
0x187: {  	v3 =	vmul.f32 v3, v6;
	[tilespmem:s20+$0xE0] =	vst v62  }
0x188: {  	v63 =	vmul.f32 v4, v6;
	[tilespmem:s20+$0xFFFFFF00] =	vst v2  }
0x189: {  	s13 =	sadd.s32 $0x1, s13;
	v0 =	vmul.f32 v0, v6;
	[tilespmem:s20+$0xFFFFFF10] =	vst v3  }
0x18a: {  	p0 =	sne.s32 s13, $0x64;
	[tilespmem:s20+$0xFFFFFF20] =	vst v63  }
.Ltmp4:
0x18b: {  	[tilespmem:s20+$0xFFFFFF30] =	vst v0;
	(pc) =	sbr.rel @p0 .LBB2_8-.Ltmp4, $4  }
0x18c: {  	[spmem:s3] =	stream.indirect.scatter.add.f32 [tilespmem:s31], [sflag:$0x2], $0x40, s30, s29, $0xb8;
	[tilespmem:$0x1DC80] =	vst v63  }
0x18d: {  	_ =	swait.ge [sflag:s26], $0x2000  }
0x18e: {  	[sflag:s26] =	ssyncset.done $0x0  }
0x18f: {  	[sflag:s26] =	ssyncadd.s32 $0xFFFFE000  }
0x190: {  	[bflag:$0x0] =	sbarrier.arrive $0xFFFF;
	s14 =	simm.s32 $0x5180  }
0x191: {  	[tilespmem:s14], [sflag:$0x2] =	stream.linear.gather [spmem:s19], $0x9E00, $0x38;
	[tilespmem:$0x1DC80] =	vst v63  }
0x192: {  	_ =	swait.ge [sflag:s26], $0x9E00  }
0x193: {  	[sflag:s26] =	ssyncset.done $0x0  }
0x194: {  	s13 =	rddreg [dreg:$0xc];
	[sflag:s26] =	ssyncadd.s32 $0xFFFF6200  }
0x195: {  	[hbm4b:s13+s6] =	stream.linear.scatter [tilespmem:s14], [sflag:$0x2], $0x9E00, $0x38;
	[tilespmem:$0x1DC80] =	vst v63  }
0x196: {  	_ =	swait.ge [sflag:s26], $0x9E00  }
0x197: {  	s22 =	sadd.s32 $0x1, s22;
	s20 =	rddreg [dreg:$0xd]  }
0x198: {  	p0 =	sne.s32 s22, s20  }
.Ltmp5:
0x199: {  	_ = 	snop;
	(pc) =	sbr.rel @p0 .LBB2_1-.Ltmp5, $3  }
0x19a: {  	_ =	sdelay $0x1  }
0x19b: {  	[sflag:s26] =	ssyncset.done $0x0  }
0x19c: {  	s24 =	simm.s32 $0x5180;
	[sflag:s26] =	ssyncadd.s32 $0xFFFF6200  }
0x19d: {  	_ =	sfence.sel $0x180000  }
0x19e: {  	[bflag:$0x0] =	sbarrier.arrive $0xFFFF  }
0x19f: {  	_ =	strace $0x90000047  }
0x1a0: {  	s0 =	stileid.u32;
	[bflag:$0x2] =	sbarrier.arrive $0xFFFF  }
0x1a1: {  	p0 =	sne.s32 s0, $0x0;
	s0 =	rddreg [dreg:$0x5]  }
0x1a2: {  	s0 =	sadd.s32 @!p0 $0x100000, s0  }
0x1a3: {  	[sflag:s0] =	ssyncadd.tile.s32 @!p0 $0x1;
	_ =	shalt  }
.Lfunc_end2:
_tile_overlayer_lowered:
.L_overlay_start_2:
0x1a4: {  	(tag) =	ssettag $0x2  }
0x1a5: {  	s0 =	rddreg [dreg:$0x0];
	s2 =	stileid.u32  }
0x1a6: {  	s1 =	rddreg [dreg:$0x1];
	p0 =	sne.s32 s2, $0x0  }
0x1a7: {  	s3 =	rddreg [dreg:$0x2];
	[bflag:$0x3] =	sbarrier.arrive $0xFFFF;
	s2 =	simm.s32 @!p0 $0x1C02  }
0x1a8: {  	[timem:s3], [sflag:s2] =	dma.local @!p0 [hbm:s0], s1  }
0x1a9: {  	s0 =	simm.s32 @!p0 $0x2  }
0x1aa: {  	_ =	swait.ge @!p0 [sflag:s0], s1  }
0x1ab: {  	s1 =	ssub.s32 @!p0 $0x0, s1;
	[sflag:s0] =	ssyncset.done @!p0 $0x0  }
0x1ac: {  	[sflag:s0] =	ssyncadd.s32 @!p0 s1  }
0x1ad: {  	[bflag:$0x3] =	sbarrier.arrive $0xFFFF  }
0x1ae: {  	_ =	shalt  }

</sc_bundles>
